<compile_context>
chip_gen: v7x
topology: tpu7x:2x2x1
jax: 0.10.2.dev20260603
libtpu: 0.0.44.dev20260713+nightly
codegen_flags: <defaults>
</compile_context>

<pallas_src>
import functools

import numpy as np
import jax
import jax.numpy as jnp
from jax import lax
from jax.experimental import pallas as pl
from jax.experimental.pallas import tpu as pltpu
from jax.experimental.pallas import tpu_sc as plsc

_SEED = 1337
_B, _N = 128, 32768
_NW = 32
_ROWS_PER_W = _B // _NW
_L = 16
_OC = 16384
_NCHUNK = _N // _OC


def _threefry2x32(k1, k2, x1, x2):
    rotations = ((13, 15, 26, 6), (17, 29, 16, 24))
    ks = (k1, k2, np.uint32(k1 ^ k2 ^ np.uint32(0x1BD11BDA)))
    x1 = (x1 + ks[0]).astype(np.uint32)
    x2 = (x2 + ks[1]).astype(np.uint32)
    for i in range(5):
        for r in rotations[i % 2]:
            x1 = (x1 + x2).astype(np.uint32)
            x2 = np.uint32((x2 << np.uint32(r)) | (x2 >> np.uint32(32 - r)))
            x2 = x1 ^ x2
        x1 = (x1 + ks[(i + 1) % 3]).astype(np.uint32)
        x2 = (x2 + ks[(i + 2) % 3] + np.uint32(i + 1)).astype(np.uint32)
    return x1, x2


def _inv_perm() -> np.ndarray:
    counts = np.arange(_N, dtype=np.uint64)
    hi = (counts >> np.uint64(32)).astype(np.uint32)
    lo = counts.astype(np.uint32)
    o1, o2 = _threefry2x32(
        np.uint32(_SEED >> 32), np.uint32(_SEED & 0xFFFFFFFF), hi, lo)
    bits = o1 ^ o2
    noise = ((bits >> np.uint32(9)) | np.uint32(0x3F800000)).view(
        np.float32) - np.float32(1.0)
    noise = np.maximum(np.float32(0.0), noise)
    perm = np.argsort(noise, kind="stable")
    return np.argsort(perm, kind="stable").astype(np.int32)


def _packed_idx() -> np.ndarray:
    idx2 = _inv_perm().astype(np.uint32).reshape(-1, 2, 16)
    packed = idx2[:, 0, :] | (idx2[:, 1, :] << np.uint32(16))
    return packed.reshape(-1).view(np.int32).copy()


_PACKED_IDX = _packed_idx()
_DEINT_CACHE = None


def _build_deinterleave():
    @functools.partial(
        pl.kernel,
        out_type=jax.ShapeDtypeStruct((_B, _N), jnp.float32),
        mesh=plsc.VectorSubcoreMesh(core_axis_name="c", subcore_axis_name="s"),
        compiler_params=pltpu.CompilerParams(needs_layout_passes=False),
        scratch_types=[
            pltpu.VMEM((_N // 2,), jnp.int32),
            pltpu.VMEM((_N,), jnp.float32),
            pltpu.VMEM((_N,), jnp.float32),
            pltpu.VMEM((_OC,), jnp.float32),
            pltpu.VMEM((_OC,), jnp.float32),
            pltpu.SemaphoreType.DMA,
            pltpu.SemaphoreType.DMA,
            pltpu.SemaphoreType.DMA,
            pltpu.SemaphoreType.DMA,
            pltpu.SemaphoreType.DMA,
            pltpu.SemaphoreType.DMA,
            pltpu.SemaphoreType.DMA,
            pltpu.SemaphoreType.DMA,
        ],
    )
    def _deinterleave(x_hbm, idx_hbm, out_hbm, idx_v, row0_v, row1_v,
                      out0_v, out1_v, idx_sem0, idx_sem1, idx_sem2, idx_sem3,
                      in_sem0, in_sem1, out_sem0, out_sem1):
        wid = lax.axis_index("s") * 2 + lax.axis_index("c")
        base_row = wid * _ROWS_PER_W
        row_bufs = (row0_v, row1_v)
        out_bufs = (out0_v, out1_v)
        in_sems = (in_sem0, in_sem1)
        out_sems = (out_sem0, out_sem1)
        idx_sems = (idx_sem0, idx_sem1, idx_sem2, idx_sem3)

        in_cps = [None, None]
        in_cps[0] = pltpu.async_copy(
            x_hbm.at[base_row], row_bufs[0], in_sems[0])
        _WC = _OC // 2
        idx_cps = [
            pltpu.async_copy(
                idx_hbm.at[pl.ds(c * _WC, _WC)],
                idx_v.at[pl.ds(c * _WC, _WC)],
                idx_sems[c])
            for c in range(_NCHUNK)
        ]
        out_cps = [None, None]

        for r in range(_ROWS_PER_W):
            rb = r % 2
            in_cps[rb].wait()
            if r + 1 < _ROWS_PER_W:
                nb = (r + 1) % 2
                in_cps[nb] = pltpu.async_copy(
                    x_hbm.at[base_row + r + 1], row_bufs[nb], in_sems[nb])
            row_ref = row_bufs[rb]
            for c in range(_NCHUNK):
                p = (r * _NCHUNK + c) % 2
                if out_cps[p] is not None:
                    out_cps[p].wait()
                if r == 0 and idx_cps[c] is not None:
                    idx_cps[c].wait()
                    idx_cps[c] = None
                out_ref = out_bufs[p]
                off = c * _OC
                woff = off // 2

                @plsc.parallel_loop(0, _OC, 2 * _L, unroll=8)
                def _gather_chunk(b):
                    w16 = idx_v[pl.ds(woff + lax.shift_right_logical(b, 1),
                                      _L)]
                    ia = lax.bitwise_and(w16, jnp.int32(0xFFFF))
                    ib = lax.shift_right_logical(w16, jnp.int32(16))
                    out_ref[pl.ds(b, _L)] = plsc.load_gather(row_ref, [ia])
                    out_ref[pl.ds(b + _L, _L)] = plsc.load_gather(
                        row_ref, [ib])
                out_cps[p] = pltpu.async_copy(
                    out_ref,
                    out_hbm.at[base_row + r, pl.ds(off, _OC)],
                    out_sems[p])
        for p in range(2):
            if out_cps[p] is not None:
                out_cps[p].wait()

    return _deinterleave


def kernel(x):
    global _DEINT_CACHE
    if _DEINT_CACHE is None:
        _DEINT_CACHE = _build_deinterleave()
    return _DEINT_CACHE(x, jnp.asarray(_PACKED_IDX))

# --- scband reference (transcript-rebuilt; emitter-appended) ---
"""Pipeline reference for scband-deinterleaver-61727269978303 (READ-ONLY COPY).

The authoritative reference and input builder live on the scoring server;
editing this copy changes nothing except your own understanding.
"""

import jax, jax.numpy as jnp
import numpy as np

SEED = 1337
AXIS = -1

def _generate_perm(seq_len):
    # Mirrors RandomInterleaver._generate_perm_full with keep_state=True:
    # draw stateless uniform noise and argsort to obtain the permutation.
    key = jax.random.key(SEED)
    noise = jax.random.uniform(key, (seq_len,), dtype=jnp.float32)
    perm = jnp.argsort(noise)
    return perm

def setup_inputs(seed: int = 0) -> dict:
    key = jax.random.key(seed)
    x = jax.random.normal(key, (128, 32768), dtype=jnp.float32)
    return {"x": x}

def reference(x):
    # Deinterleaver wrapping a RandomInterleaver(seed=1337, keep_batch_constant=True,
    # keep_state=True, axis=-1): applies the INVERSE permutation along the last axis.
    seq_len = x.shape[AXIS]
    perm = _generate_perm(seq_len)
    inv_perm = jnp.argsort(perm)  # inverse permutation
    y = jnp.take(x, inv_perm, axis=AXIS)
    return y

if __name__ == "__main__":
    import jax
    _d = setup_inputs()
    print(jax.jit(kernel)(*tuple(_d.values())))

</pallas_src>

<mosaic_0001>
#map = affine_map<(d0, d1) -> (0, 0)>
#map1 = affine_map<(d0, d1) -> (0)>
module attributes {stable_mosaic.version = 14 : i64} {
  func.func @_deinterleave(%arg0: i32, %arg1: i32, %arg2: memref<128x32768xf32, #tpu.memory_space<hbm>>, %arg3: memref<16384xi32, #tpu.memory_space<hbm>>, %arg4: memref<128x32768xf32, #tpu.memory_space<hbm>>, %arg5: memref<16384xi32, #tpu.memory_space<vmem>>, %arg6: memref<32768xf32, #tpu.memory_space<vmem>>, %arg7: memref<32768xf32, #tpu.memory_space<vmem>>, %arg8: memref<16384xf32, #tpu.memory_space<vmem>>, %arg9: memref<16384xf32, #tpu.memory_space<vmem>>, %arg10: memref<!tpu.dma_semaphore, #tpu.memory_space<semaphore_mem>>, %arg11: memref<!tpu.dma_semaphore, #tpu.memory_space<semaphore_mem>>, %arg12: memref<!tpu.dma_semaphore, #tpu.memory_space<semaphore_mem>>, %arg13: memref<!tpu.dma_semaphore, #tpu.memory_space<semaphore_mem>>, %arg14: memref<!tpu.dma_semaphore, #tpu.memory_space<semaphore_mem>>, %arg15: memref<!tpu.dma_semaphore, #tpu.memory_space<semaphore_mem>>, %arg16: memref<!tpu.dma_semaphore, #tpu.memory_space<semaphore_mem>>, %arg17: memref<!tpu.dma_semaphore, #tpu.memory_space<semaphore_mem>>) attributes {dimension_semantics = [#tpu.dimension_semantics<core_parallel>, #tpu.dimension_semantics<subcore_parallel>], iteration_bounds = array<i64: 2, 16>, scalar_prefetch = 0 : i64, scratch_operands = 13 : i64, tpu.core_type = #tpu.core_type<sc_vector_subcore>, window_params = [{transform_indices = #map}, {transform_indices = #map1}, {transform_indices = #map}]} {
    %mul3A = arith.constant 2 : i32
    %mul3A_0 = arith.muli %arg1, %mul3A : i32
    %add3A = arith.addi %mul3A_0, %arg0 : i32
    %mul3A_1 = arith.constant 4 : i32
    %mul3A_2 = arith.muli %add3A, %mul3A_1 : i32
    %dma_start3A = arith.constant 0 : i32
    %dma_start3A_3 = tpu.memref_slice %arg2[%mul3A_2, %dma_start3A] : memref<128x32768xf32, #tpu.memory_space<hbm>> -> memref<1x32768xf32, #tpu.memory_space<hbm>>
    %dma_start3A_4 = tpu.memref_squeeze %dma_start3A_3 : memref<1x32768xf32, #tpu.memory_space<hbm>> -> memref<32768xf32, #tpu.memory_space<hbm>>
    %dma_start3A_5 = arith.constant 0 : i32
    %dma_start3A_6 = tpu.memref_slice %arg2[%mul3A_2, %dma_start3A_5] : memref<128x32768xf32, #tpu.memory_space<hbm>> -> memref<1x32768xf32, #tpu.memory_space<hbm>>
    %dma_start3A_7 = tpu.memref_squeeze %dma_start3A_6 : memref<1x32768xf32, #tpu.memory_space<hbm>> -> memref<32768xf32, #tpu.memory_space<hbm>>
    tpu.enqueue_dma source(%dma_start3A_7 : memref<32768xf32, #tpu.memory_space<hbm>>) target(%arg6 : memref<32768xf32, #tpu.memory_space<vmem>>) target_semaphore(%arg14 : memref<!tpu.dma_semaphore, #tpu.memory_space<semaphore_mem>>)
    %dma_start3A_8 = arith.constant 0 : i32
    %dma_start3A_9 = tpu.memref_slice %arg5[%dma_start3A_8] : memref<16384xi32, #tpu.memory_space<vmem>> -> memref<8192xi32, #tpu.memory_space<vmem>>
    %dma_start3A_10 = arith.constant 0 : i32
    %dma_start3A_11 = tpu.memref_slice %arg3[%dma_start3A_10] : memref<16384xi32, #tpu.memory_space<hbm>> -> memref<8192xi32, #tpu.memory_space<hbm>>
    %dma_start3A_12 = arith.constant 0 : i32
    %dma_start3A_13 = tpu.memref_slice %arg5[%dma_start3A_12] : memref<16384xi32, #tpu.memory_space<vmem>> -> memref<8192xi32, #tpu.memory_space<vmem>>
    %dma_start3A_14 = arith.constant 0 : i32
    %dma_start3A_15 = tpu.memref_slice %arg3[%dma_start3A_14] : memref<16384xi32, #tpu.memory_space<hbm>> -> memref<8192xi32, #tpu.memory_space<hbm>>
    tpu.enqueue_dma source(%dma_start3A_15 : memref<8192xi32, #tpu.memory_space<hbm>>) target(%dma_start3A_13 : memref<8192xi32, #tpu.memory_space<vmem>>) target_semaphore(%arg10 : memref<!tpu.dma_semaphore, #tpu.memory_space<semaphore_mem>>)
    %dma_start3A_16 = arith.constant 8192 : i32
    %dma_start3A_17 = tpu.memref_slice %arg5[%dma_start3A_16] : memref<16384xi32, #tpu.memory_space<vmem>> -> memref<8192xi32, #tpu.memory_space<vmem>>
    %dma_start3A_18 = arith.constant 8192 : i32
    %dma_start3A_19 = tpu.memref_slice %arg3[%dma_start3A_18] : memref<16384xi32, #tpu.memory_space<hbm>> -> memref<8192xi32, #tpu.memory_space<hbm>>
    %dma_start3A_20 = arith.constant 8192 : i32
    %dma_start3A_21 = tpu.memref_slice %arg5[%dma_start3A_20] : memref<16384xi32, #tpu.memory_space<vmem>> -> memref<8192xi32, #tpu.memory_space<vmem>>
    %dma_start3A_22 = arith.constant 8192 : i32
    %dma_start3A_23 = tpu.memref_slice %arg3[%dma_start3A_22] : memref<16384xi32, #tpu.memory_space<hbm>> -> memref<8192xi32, #tpu.memory_space<hbm>>
    tpu.enqueue_dma source(%dma_start3A_23 : memref<8192xi32, #tpu.memory_space<hbm>>) target(%dma_start3A_21 : memref<8192xi32, #tpu.memory_space<vmem>>) target_semaphore(%arg11 : memref<!tpu.dma_semaphore, #tpu.memory_space<semaphore_mem>>)
    %dma_wait3A = arith.constant 0 : i32
    %dma_wait3A_24 = tpu.memref_slice %arg2[%mul3A_2, %dma_wait3A] : memref<128x32768xf32, #tpu.memory_space<hbm>> -> memref<1x32768xf32, #tpu.memory_space<hbm>>
    %dma_wait3A_25 = tpu.memref_squeeze %dma_wait3A_24 : memref<1x32768xf32, #tpu.memory_space<hbm>> -> memref<32768xf32, #tpu.memory_space<hbm>>
    %dma_wait3A_26 = arith.constant 0 : i32
    %dma_wait3A_27 = tpu.memref_slice %arg2[%mul3A_2, %dma_wait3A_26] : memref<128x32768xf32, #tpu.memory_space<hbm>> -> memref<1x32768xf32, #tpu.memory_space<hbm>>
    %dma_wait3A_28 = tpu.memref_squeeze %dma_wait3A_27 : memref<1x32768xf32, #tpu.memory_space<hbm>> -> memref<32768xf32, #tpu.memory_space<hbm>>
    tpu.wait_dma2 semaphore(%arg14 : memref<!tpu.dma_semaphore, #tpu.memory_space<semaphore_mem>>) src(%dma_wait3A_28 : memref<32768xf32, #tpu.memory_space<hbm>>) dst(%arg6 : memref<32768xf32, #tpu.memory_space<vmem>>)
    %add3A_29 = arith.constant 0 : i32
    %add3A_30 = arith.addi %mul3A_2, %add3A_29 : i32
    %add3A_31 = arith.constant 1 : i32
    %add3A_32 = arith.addi %add3A_30, %add3A_31 : i32
    %dma_start3A_33 = arith.constant 0 : i32
    %dma_start3A_34 = tpu.memref_slice %arg2[%add3A_32, %dma_start3A_33] : memref<128x32768xf32, #tpu.memory_space<hbm>> -> memref<1x32768xf32, #tpu.memory_space<hbm>>
    %dma_start3A_35 = tpu.memref_squeeze %dma_start3A_34 : memref<1x32768xf32, #tpu.memory_space<hbm>> -> memref<32768xf32, #tpu.memory_space<hbm>>
    %dma_start3A_36 = arith.constant 0 : i32
    %dma_start3A_37 = tpu.memref_slice %arg2[%add3A_32, %dma_start3A_36] : memref<128x32768xf32, #tpu.memory_space<hbm>> -> memref<1x32768xf32, #tpu.memory_space<hbm>>
    %dma_start3A_38 = tpu.memref_squeeze %dma_start3A_37 : memref<1x32768xf32, #tpu.memory_space<hbm>> -> memref<32768xf32, #tpu.memory_space<hbm>>
    tpu.enqueue_dma source(%dma_start3A_38 : memref<32768xf32, #tpu.memory_space<hbm>>) target(%arg7 : memref<32768xf32, #tpu.memory_space<vmem>>) target_semaphore(%arg15 : memref<!tpu.dma_semaphore, #tpu.memory_space<semaphore_mem>>)
    %dma_wait3A_39 = arith.constant 0 : i32
    %dma_wait3A_40 = tpu.memref_slice %arg5[%dma_wait3A_39] : memref<16384xi32, #tpu.memory_space<vmem>> -> memref<8192xi32, #tpu.memory_space<vmem>>
    %dma_wait3A_41 = arith.constant 0 : i32
    %dma_wait3A_42 = tpu.memref_slice %arg3[%dma_wait3A_41] : memref<16384xi32, #tpu.memory_space<hbm>> -> memref<8192xi32, #tpu.memory_space<hbm>>
    %dma_wait3A_43 = arith.constant 0 : i32
    %dma_wait3A_44 = tpu.memref_slice %arg5[%dma_wait3A_43] : memref<16384xi32, #tpu.memory_space<vmem>> -> memref<8192xi32, #tpu.memory_space<vmem>>
    %dma_wait3A_45 = arith.constant 0 : i32
    %dma_wait3A_46 = tpu.memref_slice %arg3[%dma_wait3A_45] : memref<16384xi32, #tpu.memory_space<hbm>> -> memref<8192xi32, #tpu.memory_space<hbm>>
    tpu.wait_dma2 semaphore(%arg10 : memref<!tpu.dma_semaphore, #tpu.memory_space<semaphore_mem>>) src(%dma_wait3A_46 : memref<8192xi32, #tpu.memory_space<hbm>>) dst(%dma_wait3A_44 : memref<8192xi32, #tpu.memory_space<vmem>>)
    %parallel_loop3A = arith.constant 0 : i32
    %parallel_loop3A_47 = arith.constant 16384 : i32
    %parallel_loop3A_48 = arith.constant 32 : i32
    scf.for %parallel_loop3A_228 = %parallel_loop3A to %parallel_loop3A_47 step %parallel_loop3A_48  : i32 {
      %parallel_loop3A_229 = arith.constant 1 : i32
      %parallel_loop3A_230 = arith.shrui %parallel_loop3A_228, %parallel_loop3A_229 : i32
      %parallel_loop3A_231 = arith.constant 0 : i32
      %parallel_loop3A_232 = arith.addi %parallel_loop3A_231, %parallel_loop3A_230 : i32
      %parallel_loop3A_233 = arith.index_cast %parallel_loop3A_232 : i32 to index
      %parallel_loop3A_234 = tpu.vector_load %arg5[%parallel_loop3A_233] {strides = array<i32>} : memref<16384xi32, #tpu.memory_space<vmem>>, vector<16xi32>,
      %parallel_loop3A_235 = arith.constant 65535 : i32
      %parallel_loop3A_236 = vector.broadcast %parallel_loop3A_235 : i32 to vector<16xi32>
      %parallel_loop3A_237 = arith.andi %parallel_loop3A_234, %parallel_loop3A_236 : vector<16xi32>
      %parallel_loop3A_238 = arith.constant 16 : i32
      %parallel_loop3A_239 = vector.broadcast %parallel_loop3A_238 : i32 to vector<16xi32>
      %parallel_loop3A_240 = arith.shrui %parallel_loop3A_234, %parallel_loop3A_239 : vector<16xi32>
      %parallel_loop3A_241 = tpu.vector_load_idx %arg6[%parallel_loop3A_237] : memref<32768xf32, #tpu.memory_space<vmem>>[vector<16xi32>], vector<16xf32>,
      %parallel_loop3A_242 = arith.index_cast %parallel_loop3A_228 : i32 to index
      %parallel_loop3A_243 = tpu.vector_load %arg8[%parallel_loop3A_242] {strides = array<i32>} : memref<16384xf32, #tpu.memory_space<vmem>>, vector<16xf32>,
      tpu.vector_store %arg8[%parallel_loop3A_242], %parallel_loop3A_241 {strides = array<i32>} : memref<16384xf32, #tpu.memory_space<vmem>>, vector<16xf32>,
      %parallel_loop3A_244 = tpu.vector_load_idx %arg6[%parallel_loop3A_240] : memref<32768xf32, #tpu.memory_space<vmem>>[vector<16xi32>], vector<16xf32>,
      %parallel_loop3A_245 = arith.constant 16 : i32
      %parallel_loop3A_246 = arith.addi %parallel_loop3A_228, %parallel_loop3A_245 : i32
      %parallel_loop3A_247 = arith.index_cast %parallel_loop3A_246 : i32 to index
      %parallel_loop3A_248 = tpu.vector_load %arg8[%parallel_loop3A_247] {strides = array<i32>} : memref<16384xf32, #tpu.memory_space<vmem>>, vector<16xf32>,
      tpu.vector_store %arg8[%parallel_loop3A_247], %parallel_loop3A_244 {strides = array<i32>} : memref<16384xf32, #tpu.memory_space<vmem>>, vector<16xf32>,
    } {sc.loop_unroll_factor = 8 : i64, sc.parallel_access}
    %add3A_49 = arith.constant 0 : i32
    %add3A_50 = arith.addi %mul3A_2, %add3A_49 : i32
    %dma_start3A_51 = arith.constant 0 : i32
    %dma_start3A_52 = tpu.memref_slice %arg4[%add3A_50, %dma_start3A_51] : memref<128x32768xf32, #tpu.memory_space<hbm>> -> memref<1x16384xf32, #tpu.memory_space<hbm>>
    %dma_start3A_53 = tpu.memref_squeeze %dma_start3A_52 : memref<1x16384xf32, #tpu.memory_space<hbm>> -> memref<16384xf32, #tpu.memory_space<hbm>>
    %dma_start3A_54 = arith.constant 0 : i32
    %dma_start3A_55 = tpu.memref_slice %arg4[%add3A_50, %dma_start3A_54] : memref<128x32768xf32, #tpu.memory_space<hbm>> -> memref<1x16384xf32, #tpu.memory_space<hbm>>
    %dma_start3A_56 = tpu.memref_squeeze %dma_start3A_55 : memref<1x16384xf32, #tpu.memory_space<hbm>> -> memref<16384xf32, #tpu.memory_space<hbm>>
    tpu.enqueue_dma source(%arg8 : memref<16384xf32, #tpu.memory_space<vmem>>) target(%dma_start3A_56 : memref<16384xf32, #tpu.memory_space<hbm>>) target_semaphore(%arg16 : memref<!tpu.dma_semaphore, #tpu.memory_space<semaphore_mem>>)
    %dma_wait3A_57 = arith.constant 8192 : i32
    %dma_wait3A_58 = tpu.memref_slice %arg5[%dma_wait3A_57] : memref<16384xi32, #tpu.memory_space<vmem>> -> memref<8192xi32, #tpu.memory_space<vmem>>
    %dma_wait3A_59 = arith.constant 8192 : i32
    %dma_wait3A_60 = tpu.memref_slice %arg3[%dma_wait3A_59] : memref<16384xi32, #tpu.memory_space<hbm>> -> memref<8192xi32, #tpu.memory_space<hbm>>
    %dma_wait3A_61 = arith.constant 8192 : i32
    %dma_wait3A_62 = tpu.memref_slice %arg5[%dma_wait3A_61] : memref<16384xi32, #tpu.memory_space<vmem>> -> memref<8192xi32, #tpu.memory_space<vmem>>
    %dma_wait3A_63 = arith.constant 8192 : i32
    %dma_wait3A_64 = tpu.memref_slice %arg3[%dma_wait3A_63] : memref<16384xi32, #tpu.memory_space<hbm>> -> memref<8192xi32, #tpu.memory_space<hbm>>
    tpu.wait_dma2 semaphore(%arg11 : memref<!tpu.dma_semaphore, #tpu.memory_space<semaphore_mem>>) src(%dma_wait3A_64 : memref<8192xi32, #tpu.memory_space<hbm>>) dst(%dma_wait3A_62 : memref<8192xi32, #tpu.memory_space<vmem>>)
    %parallel_loop3A_65 = arith.constant 0 : i32
    %parallel_loop3A_66 = arith.constant 16384 : i32
    %parallel_loop3A_67 = arith.constant 32 : i32
    scf.for %parallel_loop3A_228 = %parallel_loop3A_65 to %parallel_loop3A_66 step %parallel_loop3A_67  : i32 {
      %parallel_loop3A_229 = arith.constant 1 : i32
      %parallel_loop3A_230 = arith.shrui %parallel_loop3A_228, %parallel_loop3A_229 : i32
      %parallel_loop3A_231 = arith.constant 8192 : i32
      %parallel_loop3A_232 = arith.addi %parallel_loop3A_231, %parallel_loop3A_230 : i32
      %parallel_loop3A_233 = arith.index_cast %parallel_loop3A_232 : i32 to index
      %parallel_loop3A_234 = tpu.vector_load %arg5[%parallel_loop3A_233] {strides = array<i32>} : memref<16384xi32, #tpu.memory_space<vmem>>, vector<16xi32>,
      %parallel_loop3A_235 = arith.constant 65535 : i32
      %parallel_loop3A_236 = vector.broadcast %parallel_loop3A_235 : i32 to vector<16xi32>
      %parallel_loop3A_237 = arith.andi %parallel_loop3A_234, %parallel_loop3A_236 : vector<16xi32>
      %parallel_loop3A_238 = arith.constant 16 : i32
      %parallel_loop3A_239 = vector.broadcast %parallel_loop3A_238 : i32 to vector<16xi32>
      %parallel_loop3A_240 = arith.shrui %parallel_loop3A_234, %parallel_loop3A_239 : vector<16xi32>
      %parallel_loop3A_241 = tpu.vector_load_idx %arg6[%parallel_loop3A_237] : memref<32768xf32, #tpu.memory_space<vmem>>[vector<16xi32>], vector<16xf32>,
      %parallel_loop3A_242 = arith.index_cast %parallel_loop3A_228 : i32 to index
      %parallel_loop3A_243 = tpu.vector_load %arg9[%parallel_loop3A_242] {strides = array<i32>} : memref<16384xf32, #tpu.memory_space<vmem>>, vector<16xf32>,
      tpu.vector_store %arg9[%parallel_loop3A_242], %parallel_loop3A_241 {strides = array<i32>} : memref<16384xf32, #tpu.memory_space<vmem>>, vector<16xf32>,
      %parallel_loop3A_244 = tpu.vector_load_idx %arg6[%parallel_loop3A_240] : memref<32768xf32, #tpu.memory_space<vmem>>[vector<16xi32>], vector<16xf32>,
      %parallel_loop3A_245 = arith.constant 16 : i32
      %parallel_loop3A_246 = arith.addi %parallel_loop3A_228, %parallel_loop3A_245 : i32
      %parallel_loop3A_247 = arith.index_cast %parallel_loop3A_246 : i32 to index
      %parallel_loop3A_248 = tpu.vector_load %arg9[%parallel_loop3A_247] {strides = array<i32>} : memref<16384xf32, #tpu.memory_space<vmem>>, vector<16xf32>,
      tpu.vector_store %arg9[%parallel_loop3A_247], %parallel_loop3A_244 {strides = array<i32>} : memref<16384xf32, #tpu.memory_space<vmem>>, vector<16xf32>,
    } {sc.loop_unroll_factor = 8 : i64, sc.parallel_access}
    %add3A_68 = arith.constant 0 : i32
    %add3A_69 = arith.addi %mul3A_2, %add3A_68 : i32
    %dma_start3A_70 = arith.constant 16384 : i32
    %dma_start3A_71 = tpu.memref_slice %arg4[%add3A_69, %dma_start3A_70] : memref<128x32768xf32, #tpu.memory_space<hbm>> -> memref<1x16384xf32, #tpu.memory_space<hbm>>
    %dma_start3A_72 = tpu.memref_squeeze %dma_start3A_71 : memref<1x16384xf32, #tpu.memory_space<hbm>> -> memref<16384xf32, #tpu.memory_space<hbm>>
    %dma_start3A_73 = arith.constant 16384 : i32
    %dma_start3A_74 = tpu.memref_slice %arg4[%add3A_69, %dma_start3A_73] : memref<128x32768xf32, #tpu.memory_space<hbm>> -> memref<1x16384xf32, #tpu.memory_space<hbm>>
    %dma_start3A_75 = tpu.memref_squeeze %dma_start3A_74 : memref<1x16384xf32, #tpu.memory_space<hbm>> -> memref<16384xf32, #tpu.memory_space<hbm>>
    tpu.enqueue_dma source(%arg9 : memref<16384xf32, #tpu.memory_space<vmem>>) target(%dma_start3A_75 : memref<16384xf32, #tpu.memory_space<hbm>>) target_semaphore(%arg17 : memref<!tpu.dma_semaphore, #tpu.memory_space<semaphore_mem>>)
    %dma_wait3A_76 = arith.constant 0 : i32
    %dma_wait3A_77 = tpu.memref_slice %arg2[%add3A_32, %dma_wait3A_76] : memref<128x32768xf32, #tpu.memory_space<hbm>> -> memref<1x32768xf32, #tpu.memory_space<hbm>>
    %dma_wait3A_78 = tpu.memref_squeeze %dma_wait3A_77 : memref<1x32768xf32, #tpu.memory_space<hbm>> -> memref<32768xf32, #tpu.memory_space<hbm>>
    %dma_wait3A_79 = arith.constant 0 : i32
    %dma_wait3A_80 = tpu.memref_slice %arg2[%add3A_32, %dma_wait3A_79] : memref<128x32768xf32, #tpu.memory_space<hbm>> -> memref<1x32768xf32, #tpu.memory_space<hbm>>
    %dma_wait3A_81 = tpu.memref_squeeze %dma_wait3A_80 : memref<1x32768xf32, #tpu.memory_space<hbm>> -> memref<32768xf32, #tpu.memory_space<hbm>>
    tpu.wait_dma2 semaphore(%arg15 : memref<!tpu.dma_semaphore, #tpu.memory_space<semaphore_mem>>) src(%dma_wait3A_81 : memref<32768xf32, #tpu.memory_space<hbm>>) dst(%arg7 : memref<32768xf32, #tpu.memory_space<vmem>>)
    %add3A_82 = arith.constant 1 : i32
    %add3A_83 = arith.addi %mul3A_2, %add3A_82 : i32
    %add3A_84 = arith.constant 1 : i32
    %add3A_85 = arith.addi %add3A_83, %add3A_84 : i32
    %dma_start3A_86 = arith.constant 0 : i32
    %dma_start3A_87 = tpu.memref_slice %arg2[%add3A_85, %dma_start3A_86] : memref<128x32768xf32, #tpu.memory_space<hbm>> -> memref<1x32768xf32, #tpu.memory_space<hbm>>
    %dma_start3A_88 = tpu.memref_squeeze %dma_start3A_87 : memref<1x32768xf32, #tpu.memory_space<hbm>> -> memref<32768xf32, #tpu.memory_space<hbm>>
    %dma_start3A_89 = arith.constant 0 : i32
    %dma_start3A_90 = tpu.memref_slice %arg2[%add3A_85, %dma_start3A_89] : memref<128x32768xf32, #tpu.memory_space<hbm>> -> memref<1x32768xf32, #tpu.memory_space<hbm>>
    %dma_start3A_91 = tpu.memref_squeeze %dma_start3A_90 : memref<1x32768xf32, #tpu.memory_space<hbm>> -> memref<32768xf32, #tpu.memory_space<hbm>>
    tpu.enqueue_dma source(%dma_start3A_91 : memref<32768xf32, #tpu.memory_space<hbm>>) target(%arg6 : memref<32768xf32, #tpu.memory_space<vmem>>) target_semaphore(%arg14 : memref<!tpu.dma_semaphore, #tpu.memory_space<semaphore_mem>>)
    %dma_wait3A_92 = arith.constant 0 : i32
    %dma_wait3A_93 = tpu.memref_slice %arg4[%add3A_50, %dma_wait3A_92] : memref<128x32768xf32, #tpu.memory_space<hbm>> -> memref<1x16384xf32, #tpu.memory_space<hbm>>
    %dma_wait3A_94 = tpu.memref_squeeze %dma_wait3A_93 : memref<1x16384xf32, #tpu.memory_space<hbm>> -> memref<16384xf32, #tpu.memory_space<hbm>>
    %dma_wait3A_95 = arith.constant 0 : i32
    %dma_wait3A_96 = tpu.memref_slice %arg4[%add3A_50, %dma_wait3A_95] : memref<128x32768xf32, #tpu.memory_space<hbm>> -> memref<1x16384xf32, #tpu.memory_space<hbm>>
    %dma_wait3A_97 = tpu.memref_squeeze %dma_wait3A_96 : memref<1x16384xf32, #tpu.memory_space<hbm>> -> memref<16384xf32, #tpu.memory_space<hbm>>
    tpu.wait_dma2 semaphore(%arg16 : memref<!tpu.dma_semaphore, #tpu.memory_space<semaphore_mem>>) src(%arg8 : memref<16384xf32, #tpu.memory_space<vmem>>) dst(%dma_wait3A_97 : memref<16384xf32, #tpu.memory_space<hbm>>)
    %parallel_loop3A_98 = arith.constant 0 : i32
    %parallel_loop3A_99 = arith.constant 16384 : i32
    %parallel_loop3A_100 = arith.constant 32 : i32
    scf.for %parallel_loop3A_228 = %parallel_loop3A_98 to %parallel_loop3A_99 step %parallel_loop3A_100  : i32 {
      %parallel_loop3A_229 = arith.constant 1 : i32
      %parallel_loop3A_230 = arith.shrui %parallel_loop3A_228, %parallel_loop3A_229 : i32
      %parallel_loop3A_231 = arith.constant 0 : i32
      %parallel_loop3A_232 = arith.addi %parallel_loop3A_231, %parallel_loop3A_230 : i32
      %parallel_loop3A_233 = arith.index_cast %parallel_loop3A_232 : i32 to index
      %parallel_loop3A_234 = tpu.vector_load %arg5[%parallel_loop3A_233] {strides = array<i32>} : memref<16384xi32, #tpu.memory_space<vmem>>, vector<16xi32>,
      %parallel_loop3A_235 = arith.constant 65535 : i32
      %parallel_loop3A_236 = vector.broadcast %parallel_loop3A_235 : i32 to vector<16xi32>
      %parallel_loop3A_237 = arith.andi %parallel_loop3A_234, %parallel_loop3A_236 : vector<16xi32>
      %parallel_loop3A_238 = arith.constant 16 : i32
      %parallel_loop3A_239 = vector.broadcast %parallel_loop3A_238 : i32 to vector<16xi32>
      %parallel_loop3A_240 = arith.shrui %parallel_loop3A_234, %parallel_loop3A_239 : vector<16xi32>
      %parallel_loop3A_241 = tpu.vector_load_idx %arg7[%parallel_loop3A_237] : memref<32768xf32, #tpu.memory_space<vmem>>[vector<16xi32>], vector<16xf32>,
      %parallel_loop3A_242 = arith.index_cast %parallel_loop3A_228 : i32 to index
      %parallel_loop3A_243 = tpu.vector_load %arg8[%parallel_loop3A_242] {strides = array<i32>} : memref<16384xf32, #tpu.memory_space<vmem>>, vector<16xf32>,
      tpu.vector_store %arg8[%parallel_loop3A_242], %parallel_loop3A_241 {strides = array<i32>} : memref<16384xf32, #tpu.memory_space<vmem>>, vector<16xf32>,
      %parallel_loop3A_244 = tpu.vector_load_idx %arg7[%parallel_loop3A_240] : memref<32768xf32, #tpu.memory_space<vmem>>[vector<16xi32>], vector<16xf32>,
      %parallel_loop3A_245 = arith.constant 16 : i32
      %parallel_loop3A_246 = arith.addi %parallel_loop3A_228, %parallel_loop3A_245 : i32
      %parallel_loop3A_247 = arith.index_cast %parallel_loop3A_246 : i32 to index
      %parallel_loop3A_248 = tpu.vector_load %arg8[%parallel_loop3A_247] {strides = array<i32>} : memref<16384xf32, #tpu.memory_space<vmem>>, vector<16xf32>,
      tpu.vector_store %arg8[%parallel_loop3A_247], %parallel_loop3A_244 {strides = array<i32>} : memref<16384xf32, #tpu.memory_space<vmem>>, vector<16xf32>,
    } {sc.loop_unroll_factor = 8 : i64, sc.parallel_access}
    %add3A_101 = arith.constant 1 : i32
    %add3A_102 = arith.addi %mul3A_2, %add3A_101 : i32
    %dma_start3A_103 = arith.constant 0 : i32
    %dma_start3A_104 = tpu.memref_slice %arg4[%add3A_102, %dma_start3A_103] : memref<128x32768xf32, #tpu.memory_space<hbm>> -> memref<1x16384xf32, #tpu.memory_space<hbm>>
    %dma_start3A_105 = tpu.memref_squeeze %dma_start3A_104 : memref<1x16384xf32, #tpu.memory_space<hbm>> -> memref<16384xf32, #tpu.memory_space<hbm>>
    %dma_start3A_106 = arith.constant 0 : i32
    %dma_start3A_107 = tpu.memref_slice %arg4[%add3A_102, %dma_start3A_106] : memref<128x32768xf32, #tpu.memory_space<hbm>> -> memref<1x16384xf32, #tpu.memory_space<hbm>>
    %dma_start3A_108 = tpu.memref_squeeze %dma_start3A_107 : memref<1x16384xf32, #tpu.memory_space<hbm>> -> memref<16384xf32, #tpu.memory_space<hbm>>
    tpu.enqueue_dma source(%arg8 : memref<16384xf32, #tpu.memory_space<vmem>>) target(%dma_start3A_108 : memref<16384xf32, #tpu.memory_space<hbm>>) target_semaphore(%arg16 : memref<!tpu.dma_semaphore, #tpu.memory_space<semaphore_mem>>)
    %dma_wait3A_109 = arith.constant 16384 : i32
    %dma_wait3A_110 = tpu.memref_slice %arg4[%add3A_69, %dma_wait3A_109] : memref<128x32768xf32, #tpu.memory_space<hbm>> -> memref<1x16384xf32, #tpu.memory_space<hbm>>
    %dma_wait3A_111 = tpu.memref_squeeze %dma_wait3A_110 : memref<1x16384xf32, #tpu.memory_space<hbm>> -> memref<16384xf32, #tpu.memory_space<hbm>>
    %dma_wait3A_112 = arith.constant 16384 : i32
    %dma_wait3A_113 = tpu.memref_slice %arg4[%add3A_69, %dma_wait3A_112] : memref<128x32768xf32, #tpu.memory_space<hbm>> -> memref<1x16384xf32, #tpu.memory_space<hbm>>
    %dma_wait3A_114 = tpu.memref_squeeze %dma_wait3A_113 : memref<1x16384xf32, #tpu.memory_space<hbm>> -> memref<16384xf32, #tpu.memory_space<hbm>>
    tpu.wait_dma2 semaphore(%arg17 : memref<!tpu.dma_semaphore, #tpu.memory_space<semaphore_mem>>) src(%arg9 : memref<16384xf32, #tpu.memory_space<vmem>>) dst(%dma_wait3A_114 : memref<16384xf32, #tpu.memory_space<hbm>>)
    %parallel_loop3A_115 = arith.constant 0 : i32
    %parallel_loop3A_116 = arith.constant 16384 : i32
    %parallel_loop3A_117 = arith.constant 32 : i32
    scf.for %parallel_loop3A_228 = %parallel_loop3A_115 to %parallel_loop3A_116 step %parallel_loop3A_117  : i32 {
      %parallel_loop3A_229 = arith.constant 1 : i32
      %parallel_loop3A_230 = arith.shrui %parallel_loop3A_228, %parallel_loop3A_229 : i32
      %parallel_loop3A_231 = arith.constant 8192 : i32
      %parallel_loop3A_232 = arith.addi %parallel_loop3A_231, %parallel_loop3A_230 : i32
      %parallel_loop3A_233 = arith.index_cast %parallel_loop3A_232 : i32 to index
      %parallel_loop3A_234 = tpu.vector_load %arg5[%parallel_loop3A_233] {strides = array<i32>} : memref<16384xi32, #tpu.memory_space<vmem>>, vector<16xi32>,
      %parallel_loop3A_235 = arith.constant 65535 : i32
      %parallel_loop3A_236 = vector.broadcast %parallel_loop3A_235 : i32 to vector<16xi32>
      %parallel_loop3A_237 = arith.andi %parallel_loop3A_234, %parallel_loop3A_236 : vector<16xi32>
      %parallel_loop3A_238 = arith.constant 16 : i32
      %parallel_loop3A_239 = vector.broadcast %parallel_loop3A_238 : i32 to vector<16xi32>
      %parallel_loop3A_240 = arith.shrui %parallel_loop3A_234, %parallel_loop3A_239 : vector<16xi32>
      %parallel_loop3A_241 = tpu.vector_load_idx %arg7[%parallel_loop3A_237] : memref<32768xf32, #tpu.memory_space<vmem>>[vector<16xi32>], vector<16xf32>,
      %parallel_loop3A_242 = arith.index_cast %parallel_loop3A_228 : i32 to index
      %parallel_loop3A_243 = tpu.vector_load %arg9[%parallel_loop3A_242] {strides = array<i32>} : memref<16384xf32, #tpu.memory_space<vmem>>, vector<16xf32>,
      tpu.vector_store %arg9[%parallel_loop3A_242], %parallel_loop3A_241 {strides = array<i32>} : memref<16384xf32, #tpu.memory_space<vmem>>, vector<16xf32>,
      %parallel_loop3A_244 = tpu.vector_load_idx %arg7[%parallel_loop3A_240] : memref<32768xf32, #tpu.memory_space<vmem>>[vector<16xi32>], vector<16xf32>,
      %parallel_loop3A_245 = arith.constant 16 : i32
      %parallel_loop3A_246 = arith.addi %parallel_loop3A_228, %parallel_loop3A_245 : i32
      %parallel_loop3A_247 = arith.index_cast %parallel_loop3A_246 : i32 to index
      %parallel_loop3A_248 = tpu.vector_load %arg9[%parallel_loop3A_247] {strides = array<i32>} : memref<16384xf32, #tpu.memory_space<vmem>>, vector<16xf32>,
      tpu.vector_store %arg9[%parallel_loop3A_247], %parallel_loop3A_244 {strides = array<i32>} : memref<16384xf32, #tpu.memory_space<vmem>>, vector<16xf32>,
    } {sc.loop_unroll_factor = 8 : i64, sc.parallel_access}
    %add3A_118 = arith.constant 1 : i32
    %add3A_119 = arith.addi %mul3A_2, %add3A_118 : i32
    %dma_start3A_120 = arith.constant 16384 : i32
    %dma_start3A_121 = tpu.memref_slice %arg4[%add3A_119, %dma_start3A_120] : memref<128x32768xf32, #tpu.memory_space<hbm>> -> memref<1x16384xf32, #tpu.memory_space<hbm>>
    %dma_start3A_122 = tpu.memref_squeeze %dma_start3A_121 : memref<1x16384xf32, #tpu.memory_space<hbm>> -> memref<16384xf32, #tpu.memory_space<hbm>>
    %dma_start3A_123 = arith.constant 16384 : i32
    %dma_start3A_124 = tpu.memref_slice %arg4[%add3A_119, %dma_start3A_123] : memref<128x32768xf32, #tpu.memory_space<hbm>> -> memref<1x16384xf32, #tpu.memory_space<hbm>>
    %dma_start3A_125 = tpu.memref_squeeze %dma_start3A_124 : memref<1x16384xf32, #tpu.memory_space<hbm>> -> memref<16384xf32, #tpu.memory_space<hbm>>
    tpu.enqueue_dma source(%arg9 : memref<16384xf32, #tpu.memory_space<vmem>>) target(%dma_start3A_125 : memref<16384xf32, #tpu.memory_space<hbm>>) target_semaphore(%arg17 : memref<!tpu.dma_semaphore, #tpu.memory_space<semaphore_mem>>)
    %dma_wait3A_126 = arith.constant 0 : i32
    %dma_wait3A_127 = tpu.memref_slice %arg2[%add3A_85, %dma_wait3A_126] : memref<128x32768xf32, #tpu.memory_space<hbm>> -> memref<1x32768xf32, #tpu.memory_space<hbm>>
    %dma_wait3A_128 = tpu.memref_squeeze %dma_wait3A_127 : memref<1x32768xf32, #tpu.memory_space<hbm>> -> memref<32768xf32, #tpu.memory_space<hbm>>
    %dma_wait3A_129 = arith.constant 0 : i32
    %dma_wait3A_130 = tpu.memref_slice %arg2[%add3A_85, %dma_wait3A_129] : memref<128x32768xf32, #tpu.memory_space<hbm>> -> memref<1x32768xf32, #tpu.memory_space<hbm>>
    %dma_wait3A_131 = tpu.memref_squeeze %dma_wait3A_130 : memref<1x32768xf32, #tpu.memory_space<hbm>> -> memref<32768xf32, #tpu.memory_space<hbm>>
    tpu.wait_dma2 semaphore(%arg14 : memref<!tpu.dma_semaphore, #tpu.memory_space<semaphore_mem>>) src(%dma_wait3A_131 : memref<32768xf32, #tpu.memory_space<hbm>>) dst(%arg6 : memref<32768xf32, #tpu.memory_space<vmem>>)
    %add3A_132 = arith.constant 2 : i32
    %add3A_133 = arith.addi %mul3A_2, %add3A_132 : i32
    %add3A_134 = arith.constant 1 : i32
    %add3A_135 = arith.addi %add3A_133, %add3A_134 : i32
    %dma_start3A_136 = arith.constant 0 : i32
    %dma_start3A_137 = tpu.memref_slice %arg2[%add3A_135, %dma_start3A_136] : memref<128x32768xf32, #tpu.memory_space<hbm>> -> memref<1x32768xf32, #tpu.memory_space<hbm>>
    %dma_start3A_138 = tpu.memref_squeeze %dma_start3A_137 : memref<1x32768xf32, #tpu.memory_space<hbm>> -> memref<32768xf32, #tpu.memory_space<hbm>>
    %dma_start3A_139 = arith.constant 0 : i32
    %dma_start3A_140 = tpu.memref_slice %arg2[%add3A_135, %dma_start3A_139] : memref<128x32768xf32, #tpu.memory_space<hbm>> -> memref<1x32768xf32, #tpu.memory_space<hbm>>
    %dma_start3A_141 = tpu.memref_squeeze %dma_start3A_140 : memref<1x32768xf32, #tpu.memory_space<hbm>> -> memref<32768xf32, #tpu.memory_space<hbm>>
    tpu.enqueue_dma source(%dma_start3A_141 : memref<32768xf32, #tpu.memory_space<hbm>>) target(%arg7 : memref<32768xf32, #tpu.memory_space<vmem>>) target_semaphore(%arg15 : memref<!tpu.dma_semaphore, #tpu.memory_space<semaphore_mem>>)
    %dma_wait3A_142 = arith.constant 0 : i32
    %dma_wait3A_143 = tpu.memref_slice %arg4[%add3A_102, %dma_wait3A_142] : memref<128x32768xf32, #tpu.memory_space<hbm>> -> memref<1x16384xf32, #tpu.memory_space<hbm>>
    %dma_wait3A_144 = tpu.memref_squeeze %dma_wait3A_143 : memref<1x16384xf32, #tpu.memory_space<hbm>> -> memref<16384xf32, #tpu.memory_space<hbm>>
    %dma_wait3A_145 = arith.constant 0 : i32
    %dma_wait3A_146 = tpu.memref_slice %arg4[%add3A_102, %dma_wait3A_145] : memref<128x32768xf32, #tpu.memory_space<hbm>> -> memref<1x16384xf32, #tpu.memory_space<hbm>>
    %dma_wait3A_147 = tpu.memref_squeeze %dma_wait3A_146 : memref<1x16384xf32, #tpu.memory_space<hbm>> -> memref<16384xf32, #tpu.memory_space<hbm>>
    tpu.wait_dma2 semaphore(%arg16 : memref<!tpu.dma_semaphore, #tpu.memory_space<semaphore_mem>>) src(%arg8 : memref<16384xf32, #tpu.memory_space<vmem>>) dst(%dma_wait3A_147 : memref<16384xf32, #tpu.memory_space<hbm>>)
    %parallel_loop3A_148 = arith.constant 0 : i32
    %parallel_loop3A_149 = arith.constant 16384 : i32
    %parallel_loop3A_150 = arith.constant 32 : i32
    scf.for %parallel_loop3A_228 = %parallel_loop3A_148 to %parallel_loop3A_149 step %parallel_loop3A_150  : i32 {
      %parallel_loop3A_229 = arith.constant 1 : i32
      %parallel_loop3A_230 = arith.shrui %parallel_loop3A_228, %parallel_loop3A_229 : i32
      %parallel_loop3A_231 = arith.constant 0 : i32
      %parallel_loop3A_232 = arith.addi %parallel_loop3A_231, %parallel_loop3A_230 : i32
      %parallel_loop3A_233 = arith.index_cast %parallel_loop3A_232 : i32 to index
      %parallel_loop3A_234 = tpu.vector_load %arg5[%parallel_loop3A_233] {strides = array<i32>} : memref<16384xi32, #tpu.memory_space<vmem>>, vector<16xi32>,
      %parallel_loop3A_235 = arith.constant 65535 : i32
      %parallel_loop3A_236 = vector.broadcast %parallel_loop3A_235 : i32 to vector<16xi32>
      %parallel_loop3A_237 = arith.andi %parallel_loop3A_234, %parallel_loop3A_236 : vector<16xi32>
      %parallel_loop3A_238 = arith.constant 16 : i32
      %parallel_loop3A_239 = vector.broadcast %parallel_loop3A_238 : i32 to vector<16xi32>
      %parallel_loop3A_240 = arith.shrui %parallel_loop3A_234, %parallel_loop3A_239 : vector<16xi32>
      %parallel_loop3A_241 = tpu.vector_load_idx %arg6[%parallel_loop3A_237] : memref<32768xf32, #tpu.memory_space<vmem>>[vector<16xi32>], vector<16xf32>,
      %parallel_loop3A_242 = arith.index_cast %parallel_loop3A_228 : i32 to index
      %parallel_loop3A_243 = tpu.vector_load %arg8[%parallel_loop3A_242] {strides = array<i32>} : memref<16384xf32, #tpu.memory_space<vmem>>, vector<16xf32>,
      tpu.vector_store %arg8[%parallel_loop3A_242], %parallel_loop3A_241 {strides = array<i32>} : memref<16384xf32, #tpu.memory_space<vmem>>, vector<16xf32>,
      %parallel_loop3A_244 = tpu.vector_load_idx %arg6[%parallel_loop3A_240] : memref<32768xf32, #tpu.memory_space<vmem>>[vector<16xi32>], vector<16xf32>,
      %parallel_loop3A_245 = arith.constant 16 : i32
      %parallel_loop3A_246 = arith.addi %parallel_loop3A_228, %parallel_loop3A_245 : i32
      %parallel_loop3A_247 = arith.index_cast %parallel_loop3A_246 : i32 to index
      %parallel_loop3A_248 = tpu.vector_load %arg8[%parallel_loop3A_247] {strides = array<i32>} : memref<16384xf32, #tpu.memory_space<vmem>>, vector<16xf32>,
      tpu.vector_store %arg8[%parallel_loop3A_247], %parallel_loop3A_244 {strides = array<i32>} : memref<16384xf32, #tpu.memory_space<vmem>>, vector<16xf32>,
    } {sc.loop_unroll_factor = 8 : i64, sc.parallel_access}
    %add3A_151 = arith.constant 2 : i32
    %add3A_152 = arith.addi %mul3A_2, %add3A_151 : i32
    %dma_start3A_153 = arith.constant 0 : i32
    %dma_start3A_154 = tpu.memref_slice %arg4[%add3A_152, %dma_start3A_153] : memref<128x32768xf32, #tpu.memory_space<hbm>> -> memref<1x16384xf32, #tpu.memory_space<hbm>>
    %dma_start3A_155 = tpu.memref_squeeze %dma_start3A_154 : memref<1x16384xf32, #tpu.memory_space<hbm>> -> memref<16384xf32, #tpu.memory_space<hbm>>
    %dma_start3A_156 = arith.constant 0 : i32
    %dma_start3A_157 = tpu.memref_slice %arg4[%add3A_152, %dma_start3A_156] : memref<128x32768xf32, #tpu.memory_space<hbm>> -> memref<1x16384xf32, #tpu.memory_space<hbm>>
    %dma_start3A_158 = tpu.memref_squeeze %dma_start3A_157 : memref<1x16384xf32, #tpu.memory_space<hbm>> -> memref<16384xf32, #tpu.memory_space<hbm>>
    tpu.enqueue_dma source(%arg8 : memref<16384xf32, #tpu.memory_space<vmem>>) target(%dma_start3A_158 : memref<16384xf32, #tpu.memory_space<hbm>>) target_semaphore(%arg16 : memref<!tpu.dma_semaphore, #tpu.memory_space<semaphore_mem>>)
    %dma_wait3A_159 = arith.constant 16384 : i32
    %dma_wait3A_160 = tpu.memref_slice %arg4[%add3A_119, %dma_wait3A_159] : memref<128x32768xf32, #tpu.memory_space<hbm>> -> memref<1x16384xf32, #tpu.memory_space<hbm>>
    %dma_wait3A_161 = tpu.memref_squeeze %dma_wait3A_160 : memref<1x16384xf32, #tpu.memory_space<hbm>> -> memref<16384xf32, #tpu.memory_space<hbm>>
    %dma_wait3A_162 = arith.constant 16384 : i32
    %dma_wait3A_163 = tpu.memref_slice %arg4[%add3A_119, %dma_wait3A_162] : memref<128x32768xf32, #tpu.memory_space<hbm>> -> memref<1x16384xf32, #tpu.memory_space<hbm>>
    %dma_wait3A_164 = tpu.memref_squeeze %dma_wait3A_163 : memref<1x16384xf32, #tpu.memory_space<hbm>> -> memref<16384xf32, #tpu.memory_space<hbm>>
    tpu.wait_dma2 semaphore(%arg17 : memref<!tpu.dma_semaphore, #tpu.memory_space<semaphore_mem>>) src(%arg9 : memref<16384xf32, #tpu.memory_space<vmem>>) dst(%dma_wait3A_164 : memref<16384xf32, #tpu.memory_space<hbm>>)
    %parallel_loop3A_165 = arith.constant 0 : i32
    %parallel_loop3A_166 = arith.constant 16384 : i32
    %parallel_loop3A_167 = arith.constant 32 : i32
    scf.for %parallel_loop3A_228 = %parallel_loop3A_165 to %parallel_loop3A_166 step %parallel_loop3A_167  : i32 {
      %parallel_loop3A_229 = arith.constant 1 : i32
      %parallel_loop3A_230 = arith.shrui %parallel_loop3A_228, %parallel_loop3A_229 : i32
      %parallel_loop3A_231 = arith.constant 8192 : i32
      %parallel_loop3A_232 = arith.addi %parallel_loop3A_231, %parallel_loop3A_230 : i32
      %parallel_loop3A_233 = arith.index_cast %parallel_loop3A_232 : i32 to index
      %parallel_loop3A_234 = tpu.vector_load %arg5[%parallel_loop3A_233] {strides = array<i32>} : memref<16384xi32, #tpu.memory_space<vmem>>, vector<16xi32>,
      %parallel_loop3A_235 = arith.constant 65535 : i32
      %parallel_loop3A_236 = vector.broadcast %parallel_loop3A_235 : i32 to vector<16xi32>
      %parallel_loop3A_237 = arith.andi %parallel_loop3A_234, %parallel_loop3A_236 : vector<16xi32>
      %parallel_loop3A_238 = arith.constant 16 : i32
      %parallel_loop3A_239 = vector.broadcast %parallel_loop3A_238 : i32 to vector<16xi32>
      %parallel_loop3A_240 = arith.shrui %parallel_loop3A_234, %parallel_loop3A_239 : vector<16xi32>
      %parallel_loop3A_241 = tpu.vector_load_idx %arg6[%parallel_loop3A_237] : memref<32768xf32, #tpu.memory_space<vmem>>[vector<16xi32>], vector<16xf32>,
      %parallel_loop3A_242 = arith.index_cast %parallel_loop3A_228 : i32 to index
      %parallel_loop3A_243 = tpu.vector_load %arg9[%parallel_loop3A_242] {strides = array<i32>} : memref<16384xf32, #tpu.memory_space<vmem>>, vector<16xf32>,
      tpu.vector_store %arg9[%parallel_loop3A_242], %parallel_loop3A_241 {strides = array<i32>} : memref<16384xf32, #tpu.memory_space<vmem>>, vector<16xf32>,
      %parallel_loop3A_244 = tpu.vector_load_idx %arg6[%parallel_loop3A_240] : memref<32768xf32, #tpu.memory_space<vmem>>[vector<16xi32>], vector<16xf32>,
      %parallel_loop3A_245 = arith.constant 16 : i32
      %parallel_loop3A_246 = arith.addi %parallel_loop3A_228, %parallel_loop3A_245 : i32
      %parallel_loop3A_247 = arith.index_cast %parallel_loop3A_246 : i32 to index
      %parallel_loop3A_248 = tpu.vector_load %arg9[%parallel_loop3A_247] {strides = array<i32>} : memref<16384xf32, #tpu.memory_space<vmem>>, vector<16xf32>,
      tpu.vector_store %arg9[%parallel_loop3A_247], %parallel_loop3A_244 {strides = array<i32>} : memref<16384xf32, #tpu.memory_space<vmem>>, vector<16xf32>,
    } {sc.loop_unroll_factor = 8 : i64, sc.parallel_access}
    %add3A_168 = arith.constant 2 : i32
    %add3A_169 = arith.addi %mul3A_2, %add3A_168 : i32
    %dma_start3A_170 = arith.constant 16384 : i32
    %dma_start3A_171 = tpu.memref_slice %arg4[%add3A_169, %dma_start3A_170] : memref<128x32768xf32, #tpu.memory_space<hbm>> -> memref<1x16384xf32, #tpu.memory_space<hbm>>
    %dma_start3A_172 = tpu.memref_squeeze %dma_start3A_171 : memref<1x16384xf32, #tpu.memory_space<hbm>> -> memref<16384xf32, #tpu.memory_space<hbm>>
    %dma_start3A_173 = arith.constant 16384 : i32
    %dma_start3A_174 = tpu.memref_slice %arg4[%add3A_169, %dma_start3A_173] : memref<128x32768xf32, #tpu.memory_space<hbm>> -> memref<1x16384xf32, #tpu.memory_space<hbm>>
    %dma_start3A_175 = tpu.memref_squeeze %dma_start3A_174 : memref<1x16384xf32, #tpu.memory_space<hbm>> -> memref<16384xf32, #tpu.memory_space<hbm>>
    tpu.enqueue_dma source(%arg9 : memref<16384xf32, #tpu.memory_space<vmem>>) target(%dma_start3A_175 : memref<16384xf32, #tpu.memory_space<hbm>>) target_semaphore(%arg17 : memref<!tpu.dma_semaphore, #tpu.memory_space<semaphore_mem>>)
    %dma_wait3A_176 = arith.constant 0 : i32
    %dma_wait3A_177 = tpu.memref_slice %arg2[%add3A_135, %dma_wait3A_176] : memref<128x32768xf32, #tpu.memory_space<hbm>> -> memref<1x32768xf32, #tpu.memory_space<hbm>>
    %dma_wait3A_178 = tpu.memref_squeeze %dma_wait3A_177 : memref<1x32768xf32, #tpu.memory_space<hbm>> -> memref<32768xf32, #tpu.memory_space<hbm>>
    %dma_wait3A_179 = arith.constant 0 : i32
    %dma_wait3A_180 = tpu.memref_slice %arg2[%add3A_135, %dma_wait3A_179] : memref<128x32768xf32, #tpu.memory_space<hbm>> -> memref<1x32768xf32, #tpu.memory_space<hbm>>
    %dma_wait3A_181 = tpu.memref_squeeze %dma_wait3A_180 : memref<1x32768xf32, #tpu.memory_space<hbm>> -> memref<32768xf32, #tpu.memory_space<hbm>>
    tpu.wait_dma2 semaphore(%arg15 : memref<!tpu.dma_semaphore, #tpu.memory_space<semaphore_mem>>) src(%dma_wait3A_181 : memref<32768xf32, #tpu.memory_space<hbm>>) dst(%arg7 : memref<32768xf32, #tpu.memory_space<vmem>>)
    %dma_wait3A_182 = arith.constant 0 : i32
    %dma_wait3A_183 = tpu.memref_slice %arg4[%add3A_152, %dma_wait3A_182] : memref<128x32768xf32, #tpu.memory_space<hbm>> -> memref<1x16384xf32, #tpu.memory_space<hbm>>
    %dma_wait3A_184 = tpu.memref_squeeze %dma_wait3A_183 : memref<1x16384xf32, #tpu.memory_space<hbm>> -> memref<16384xf32, #tpu.memory_space<hbm>>
    %dma_wait3A_185 = arith.constant 0 : i32
    %dma_wait3A_186 = tpu.memref_slice %arg4[%add3A_152, %dma_wait3A_185] : memref<128x32768xf32, #tpu.memory_space<hbm>> -> memref<1x16384xf32, #tpu.memory_space<hbm>>
    %dma_wait3A_187 = tpu.memref_squeeze %dma_wait3A_186 : memref<1x16384xf32, #tpu.memory_space<hbm>> -> memref<16384xf32, #tpu.memory_space<hbm>>
    tpu.wait_dma2 semaphore(%arg16 : memref<!tpu.dma_semaphore, #tpu.memory_space<semaphore_mem>>) src(%arg8 : memref<16384xf32, #tpu.memory_space<vmem>>) dst(%dma_wait3A_187 : memref<16384xf32, #tpu.memory_space<hbm>>)
    %parallel_loop3A_188 = arith.constant 0 : i32
    %parallel_loop3A_189 = arith.constant 16384 : i32
    %parallel_loop3A_190 = arith.constant 32 : i32
    scf.for %parallel_loop3A_228 = %parallel_loop3A_188 to %parallel_loop3A_189 step %parallel_loop3A_190  : i32 {
      %parallel_loop3A_229 = arith.constant 1 : i32
      %parallel_loop3A_230 = arith.shrui %parallel_loop3A_228, %parallel_loop3A_229 : i32
      %parallel_loop3A_231 = arith.constant 0 : i32
      %parallel_loop3A_232 = arith.addi %parallel_loop3A_231, %parallel_loop3A_230 : i32
      %parallel_loop3A_233 = arith.index_cast %parallel_loop3A_232 : i32 to index
      %parallel_loop3A_234 = tpu.vector_load %arg5[%parallel_loop3A_233] {strides = array<i32>} : memref<16384xi32, #tpu.memory_space<vmem>>, vector<16xi32>,
      %parallel_loop3A_235 = arith.constant 65535 : i32
      %parallel_loop3A_236 = vector.broadcast %parallel_loop3A_235 : i32 to vector<16xi32>
      %parallel_loop3A_237 = arith.andi %parallel_loop3A_234, %parallel_loop3A_236 : vector<16xi32>
      %parallel_loop3A_238 = arith.constant 16 : i32
      %parallel_loop3A_239 = vector.broadcast %parallel_loop3A_238 : i32 to vector<16xi32>
      %parallel_loop3A_240 = arith.shrui %parallel_loop3A_234, %parallel_loop3A_239 : vector<16xi32>
      %parallel_loop3A_241 = tpu.vector_load_idx %arg7[%parallel_loop3A_237] : memref<32768xf32, #tpu.memory_space<vmem>>[vector<16xi32>], vector<16xf32>,
      %parallel_loop3A_242 = arith.index_cast %parallel_loop3A_228 : i32 to index
      %parallel_loop3A_243 = tpu.vector_load %arg8[%parallel_loop3A_242] {strides = array<i32>} : memref<16384xf32, #tpu.memory_space<vmem>>, vector<16xf32>,
      tpu.vector_store %arg8[%parallel_loop3A_242], %parallel_loop3A_241 {strides = array<i32>} : memref<16384xf32, #tpu.memory_space<vmem>>, vector<16xf32>,
      %parallel_loop3A_244 = tpu.vector_load_idx %arg7[%parallel_loop3A_240] : memref<32768xf32, #tpu.memory_space<vmem>>[vector<16xi32>], vector<16xf32>,
      %parallel_loop3A_245 = arith.constant 16 : i32
      %parallel_loop3A_246 = arith.addi %parallel_loop3A_228, %parallel_loop3A_245 : i32
      %parallel_loop3A_247 = arith.index_cast %parallel_loop3A_246 : i32 to index
      %parallel_loop3A_248 = tpu.vector_load %arg8[%parallel_loop3A_247] {strides = array<i32>} : memref<16384xf32, #tpu.memory_space<vmem>>, vector<16xf32>,
      tpu.vector_store %arg8[%parallel_loop3A_247], %parallel_loop3A_244 {strides = array<i32>} : memref<16384xf32, #tpu.memory_space<vmem>>, vector<16xf32>,
    } {sc.loop_unroll_factor = 8 : i64, sc.parallel_access}
    %add3A_191 = arith.constant 3 : i32
    %add3A_192 = arith.addi %mul3A_2, %add3A_191 : i32
    %dma_start3A_193 = arith.constant 0 : i32
    %dma_start3A_194 = tpu.memref_slice %arg4[%add3A_192, %dma_start3A_193] : memref<128x32768xf32, #tpu.memory_space<hbm>> -> memref<1x16384xf32, #tpu.memory_space<hbm>>
    %dma_start3A_195 = tpu.memref_squeeze %dma_start3A_194 : memref<1x16384xf32, #tpu.memory_space<hbm>> -> memref<16384xf32, #tpu.memory_space<hbm>>
    %dma_start3A_196 = arith.constant 0 : i32
    %dma_start3A_197 = tpu.memref_slice %arg4[%add3A_192, %dma_start3A_196] : memref<128x32768xf32, #tpu.memory_space<hbm>> -> memref<1x16384xf32, #tpu.memory_space<hbm>>
    %dma_start3A_198 = tpu.memref_squeeze %dma_start3A_197 : memref<1x16384xf32, #tpu.memory_space<hbm>> -> memref<16384xf32, #tpu.memory_space<hbm>>
    tpu.enqueue_dma source(%arg8 : memref<16384xf32, #tpu.memory_space<vmem>>) target(%dma_start3A_198 : memref<16384xf32, #tpu.memory_space<hbm>>) target_semaphore(%arg16 : memref<!tpu.dma_semaphore, #tpu.memory_space<semaphore_mem>>)
    %dma_wait3A_199 = arith.constant 16384 : i32
    %dma_wait3A_200 = tpu.memref_slice %arg4[%add3A_169, %dma_wait3A_199] : memref<128x32768xf32, #tpu.memory_space<hbm>> -> memref<1x16384xf32, #tpu.memory_space<hbm>>
    %dma_wait3A_201 = tpu.memref_squeeze %dma_wait3A_200 : memref<1x16384xf32, #tpu.memory_space<hbm>> -> memref<16384xf32, #tpu.memory_space<hbm>>
    %dma_wait3A_202 = arith.constant 16384 : i32
    %dma_wait3A_203 = tpu.memref_slice %arg4[%add3A_169, %dma_wait3A_202] : memref<128x32768xf32, #tpu.memory_space<hbm>> -> memref<1x16384xf32, #tpu.memory_space<hbm>>
    %dma_wait3A_204 = tpu.memref_squeeze %dma_wait3A_203 : memref<1x16384xf32, #tpu.memory_space<hbm>> -> memref<16384xf32, #tpu.memory_space<hbm>>
    tpu.wait_dma2 semaphore(%arg17 : memref<!tpu.dma_semaphore, #tpu.memory_space<semaphore_mem>>) src(%arg9 : memref<16384xf32, #tpu.memory_space<vmem>>) dst(%dma_wait3A_204 : memref<16384xf32, #tpu.memory_space<hbm>>)
    %parallel_loop3A_205 = arith.constant 0 : i32
    %parallel_loop3A_206 = arith.constant 16384 : i32
    %parallel_loop3A_207 = arith.constant 32 : i32
    scf.for %parallel_loop3A_228 = %parallel_loop3A_205 to %parallel_loop3A_206 step %parallel_loop3A_207  : i32 {
      %parallel_loop3A_229 = arith.constant 1 : i32
      %parallel_loop3A_230 = arith.shrui %parallel_loop3A_228, %parallel_loop3A_229 : i32
      %parallel_loop3A_231 = arith.constant 8192 : i32
      %parallel_loop3A_232 = arith.addi %parallel_loop3A_231, %parallel_loop3A_230 : i32
      %parallel_loop3A_233 = arith.index_cast %parallel_loop3A_232 : i32 to index
      %parallel_loop3A_234 = tpu.vector_load %arg5[%parallel_loop3A_233] {strides = array<i32>} : memref<16384xi32, #tpu.memory_space<vmem>>, vector<16xi32>,
      %parallel_loop3A_235 = arith.constant 65535 : i32
      %parallel_loop3A_236 = vector.broadcast %parallel_loop3A_235 : i32 to vector<16xi32>
      %parallel_loop3A_237 = arith.andi %parallel_loop3A_234, %parallel_loop3A_236 : vector<16xi32>
      %parallel_loop3A_238 = arith.constant 16 : i32
      %parallel_loop3A_239 = vector.broadcast %parallel_loop3A_238 : i32 to vector<16xi32>
      %parallel_loop3A_240 = arith.shrui %parallel_loop3A_234, %parallel_loop3A_239 : vector<16xi32>
      %parallel_loop3A_241 = tpu.vector_load_idx %arg7[%parallel_loop3A_237] : memref<32768xf32, #tpu.memory_space<vmem>>[vector<16xi32>], vector<16xf32>,
      %parallel_loop3A_242 = arith.index_cast %parallel_loop3A_228 : i32 to index
      %parallel_loop3A_243 = tpu.vector_load %arg9[%parallel_loop3A_242] {strides = array<i32>} : memref<16384xf32, #tpu.memory_space<vmem>>, vector<16xf32>,
      tpu.vector_store %arg9[%parallel_loop3A_242], %parallel_loop3A_241 {strides = array<i32>} : memref<16384xf32, #tpu.memory_space<vmem>>, vector<16xf32>,
      %parallel_loop3A_244 = tpu.vector_load_idx %arg7[%parallel_loop3A_240] : memref<32768xf32, #tpu.memory_space<vmem>>[vector<16xi32>], vector<16xf32>,
      %parallel_loop3A_245 = arith.constant 16 : i32
      %parallel_loop3A_246 = arith.addi %parallel_loop3A_228, %parallel_loop3A_245 : i32
      %parallel_loop3A_247 = arith.index_cast %parallel_loop3A_246 : i32 to index
      %parallel_loop3A_248 = tpu.vector_load %arg9[%parallel_loop3A_247] {strides = array<i32>} : memref<16384xf32, #tpu.memory_space<vmem>>, vector<16xf32>,
      tpu.vector_store %arg9[%parallel_loop3A_247], %parallel_loop3A_244 {strides = array<i32>} : memref<16384xf32, #tpu.memory_space<vmem>>, vector<16xf32>,
    } {sc.loop_unroll_factor = 8 : i64, sc.parallel_access}
    %add3A_208 = arith.constant 3 : i32
    %add3A_209 = arith.addi %mul3A_2, %add3A_208 : i32
    %dma_start3A_210 = arith.constant 16384 : i32
    %dma_start3A_211 = tpu.memref_slice %arg4[%add3A_209, %dma_start3A_210] : memref<128x32768xf32, #tpu.memory_space<hbm>> -> memref<1x16384xf32, #tpu.memory_space<hbm>>
    %dma_start3A_212 = tpu.memref_squeeze %dma_start3A_211 : memref<1x16384xf32, #tpu.memory_space<hbm>> -> memref<16384xf32, #tpu.memory_space<hbm>>
    %dma_start3A_213 = arith.constant 16384 : i32
    %dma_start3A_214 = tpu.memref_slice %arg4[%add3A_209, %dma_start3A_213] : memref<128x32768xf32, #tpu.memory_space<hbm>> -> memref<1x16384xf32, #tpu.memory_space<hbm>>
    %dma_start3A_215 = tpu.memref_squeeze %dma_start3A_214 : memref<1x16384xf32, #tpu.memory_space<hbm>> -> memref<16384xf32, #tpu.memory_space<hbm>>
    tpu.enqueue_dma source(%arg9 : memref<16384xf32, #tpu.memory_space<vmem>>) target(%dma_start3A_215 : memref<16384xf32, #tpu.memory_space<hbm>>) target_semaphore(%arg17 : memref<!tpu.dma_semaphore, #tpu.memory_space<semaphore_mem>>)
    %dma_wait3A_216 = arith.constant 0 : i32
    %dma_wait3A_217 = tpu.memref_slice %arg4[%add3A_192, %dma_wait3A_216] : memref<128x32768xf32, #tpu.memory_space<hbm>> -> memref<1x16384xf32, #tpu.memory_space<hbm>>
    %dma_wait3A_218 = tpu.memref_squeeze %dma_wait3A_217 : memref<1x16384xf32, #tpu.memory_space<hbm>> -> memref<16384xf32, #tpu.memory_space<hbm>>
    %dma_wait3A_219 = arith.constant 0 : i32
    %dma_wait3A_220 = tpu.memref_slice %arg4[%add3A_192, %dma_wait3A_219] : memref<128x32768xf32, #tpu.memory_space<hbm>> -> memref<1x16384xf32, #tpu.memory_space<hbm>>
    %dma_wait3A_221 = tpu.memref_squeeze %dma_wait3A_220 : memref<1x16384xf32, #tpu.memory_space<hbm>> -> memref<16384xf32, #tpu.memory_space<hbm>>
    tpu.wait_dma2 semaphore(%arg16 : memref<!tpu.dma_semaphore, #tpu.memory_space<semaphore_mem>>) src(%arg8 : memref<16384xf32, #tpu.memory_space<vmem>>) dst(%dma_wait3A_221 : memref<16384xf32, #tpu.memory_space<hbm>>)
    %dma_wait3A_222 = arith.constant 16384 : i32
    %dma_wait3A_223 = tpu.memref_slice %arg4[%add3A_209, %dma_wait3A_222] : memref<128x32768xf32, #tpu.memory_space<hbm>> -> memref<1x16384xf32, #tpu.memory_space<hbm>>
    %dma_wait3A_224 = tpu.memref_squeeze %dma_wait3A_223 : memref<1x16384xf32, #tpu.memory_space<hbm>> -> memref<16384xf32, #tpu.memory_space<hbm>>
    %dma_wait3A_225 = arith.constant 16384 : i32
    %dma_wait3A_226 = tpu.memref_slice %arg4[%add3A_209, %dma_wait3A_225] : memref<128x32768xf32, #tpu.memory_space<hbm>> -> memref<1x16384xf32, #tpu.memory_space<hbm>>
    %dma_wait3A_227 = tpu.memref_squeeze %dma_wait3A_226 : memref<1x16384xf32, #tpu.memory_space<hbm>> -> memref<16384xf32, #tpu.memory_space<hbm>>
    tpu.wait_dma2 semaphore(%arg17 : memref<!tpu.dma_semaphore, #tpu.memory_space<semaphore_mem>>) src(%arg9 : memref<16384xf32, #tpu.memory_space<vmem>>) dst(%dma_wait3A_227 : memref<16384xf32, #tpu.memory_space<hbm>>)
    return
  }
}

</mosaic_0001>

<sc_bundles>
// kernel: kernel.3.cloned.1.call-start
scs
__scs_entry_jumppad:
0x0: {  	(pc) =	sbr.rel $0x88, $3  }
0x1: {  	(tag) =	ssettag $0x0;
	lr =	simm.s32 $0x1  }
0x2: {  	[smem:$0x3FA0] =	sst lr;
	_ =	strace $0xD0000000  }
0x3: {  	_ = 	snop  }
0x4: {  	_ = 	snop  }
0x5: {  	_ = 	snop  }
0x6: {  	_ = 	snop  }
0x7: {  	_ = 	snop  }
__scs_overlays_trampoline_lowered:
0x8: {  	[smem:$0x3FAF] =	sst s0  }
0x9: {  	[smem:$0x3FB0] =	sst s1  }
0xa: {  	[smem:$0x3FB1] =	sst s2  }
0xb: {  	[smem:$0x3FB2] =	sst s3  }
0xc: {  	[smem:$0x3FB3] =	sst s4  }
0xd: {  	[smem:$0x3FB4] =	sst s5  }
0xe: {  	[smem:$0x3FB5] =	sst s6  }
0xf: {  	[smem:$0x3FB6] =	sst s7  }
0x10: {  	[smem:$0x3FB7] =	sst s8  }
0x11: {  	[smem:$0x3FB8] =	sst s9;
	s0 =	simm.s32 @!p0 $0x0  }
0x12: {  	s1 =	sld [smem:$0x3F9E];
	s0 =	simm.s32 @p0 $0x1  }
0x13: {  	[smem:$0x3FB9] =	sst s0;
	s0 =	simm.s32 @!p1 $0x0  }
0x14: {  	s2 =	sld [smem:$0x3F9D];
	s0 =	simm.s32 @p1 $0x1  }
0x15: {  	[smem:$0x3FBA] =	sst s0;
	s0 =	simm.s32 @!p2 $0x0  }
0x16: {  	s3 =	sld [smem:$0x3FDB];
	s0 =	simm.s32 @p2 $0x1  }
0x17: {  	s4 =	simm.s32 $0x1BF5;
	[smem:$0x3FBC] =	sst s0  }
0x18: {  	s0 =	sld [smem:$0x3F9F];
	_ =	swait.ge [sflag:s4], $0x0  }
0x19: {  	s7 =	sld [smem:$0x3FA0]  }
0x1a: {  	s8 =	sadd.s32 $0xFFFFE003, lr  }
0x1b: {  	s9 =	sadd.s32 $0xFFFFFEF7, lr;
	s5 =	simm.s32 $0xFFFFFFFF;
	p2 =	slt.u32 s8, $0xFFFFF086  }
0x1c: {  	p1 =	slt.u32 s9, $0xF7A;
	s5 =	simm.s32 @!p2 $0x0  }
0x1d: {  	s5 =	simm.s32 @p1 $0x1;
	p0 =	seq.s32 s7, s2  }
0x1e: {  	s7 =	smul.u32 @!p0 $0xF7A, s2;
	p2 =	seq.s32 @!p0 s5, $0x0  }
0x1f: {  	s9 =	smul.u32 $0xF7A, s1;
	s8 =	simm.s32 @!p0 $0x1BF5;
	p2 =	por !p2, p0  }
0x20: {  	[sflag:s8] =	ssyncset.s32 @!p0 $0xFFFFF086;
	s6 =	sadd.s32 @!p0 s3, s7;
	s7 =	simm.s32 @!p0 $0x108  }
0x21: {  	s3 =	sadd.s32 s3, s9;
	s6 =	sadd.s32 @!p0 $0x88, s6;
	s7 =	simm.s32 @p2 $0x1082  }
0x22: {  	[simem:s7], [sflag:s8] =	dma.local @!p0 [hbm:s6], $0xF7A  }
0x23: {  	s9 =	sor.u32 $0xD0000000, s2;
	s6 =	simm.s32 $0x108;
	_ =	swait.ge @!p0 [sflag:s8], $0x0  }
0x24: {  	s3 =	sadd.s32 $0x88, s3;
	s6 =	simm.s32 @!p1 $0x1082;
	[sflag:s4] =	ssyncset.s32 $0xFFFFF086  }
0x25: {  	[simem:s6], [sflag:s4] =	dma.local [hbm:s3], $0xF7A  }
0x26: {  	[smem:$0x3FA0] =	sst s1;
	(tag) =	ssettag s2;
	_ =	strace s9  }
0x27: {  	s1 =	sld [smem:$0x3FB0]  }
0x28: {  	s2 =	sld [smem:$0x3FB1]  }
0x29: {  	s4 =	sld [smem:$0x3FB3]  }
0x2a: {  	p0 =	seq.s32 s5, $0x0;
	s5 =	sld [smem:$0x3FB4]  }
0x2b: {  	s6 =	sld [smem:$0x3FB5]  }
0x2c: {  	s7 =	sld [smem:$0x3FB6]  }
0x2d: {  	s3 =	simm.s32 $0x108;
	s8 =	sld [smem:$0x3FB7]  }
0x2e: {  	s3 =	simm.s32 @!p0 $0x1082;
	s9 =	sld [smem:$0x3FB8]  }
0x2f: {  	lr =	sadd.s32 s0, s3;
	s0 =	sld [smem:$0x3FAF]  }
0x30: {  	s3 =	sld [smem:$0x3FB2]  }
0x31: {  	[smem:$0x3FBB] =	sst s10  }
0x32: {  	s10 =	sld [smem:$0x3FB9];
	_ =	sdelay $0x3  }
0x33: {  	p0 =	seq.s32 s10, $0x1;
	s10 =	sld [smem:$0x3FBB];
	_ =	sdelay $0x3  }
0x34: {  	[smem:$0x3FBB] =	sst s10  }
0x35: {  	s10 =	sld [smem:$0x3FBA];
	_ =	sdelay $0x3  }
0x36: {  	p1 =	seq.s32 s10, $0x1;
	s10 =	sld [smem:$0x3FBB];
	_ =	sdelay $0x3  }
0x37: {  	[smem:$0x3FBB] =	sst s10  }
0x38: {  	s10 =	sld [smem:$0x3FBC]  }
0x39: {  	_ = 	snop;
	(pc) =	sbr.ind lr, $3  }
0x3a: {  	_ = 	snop  }
0x3b: {  	_ = 	snop  }
0x3c: {  	p2 =	seq.s32 s10, $0x1;
	s10 =	sld [smem:$0x3FBB]  }
0x3d: {  	_ =	shalt  }
0x3e: {  	_ =	shalt  }
0x3f: {  	_ =	shalt  }
0x40: {  	_ =	shalt  }
0x41: {  	_ =	shalt  }
0x42: {  	_ =	shalt  }
0x43: {  	_ =	shalt  }
0x44: {  	_ =	shalt  }
0x45: {  	_ =	shalt  }
0x46: {  	_ =	shalt  }
0x47: {  	_ =	shalt  }
0x48: {  	_ =	shalt  }
0x49: {  	_ =	shalt  }
0x4a: {  	_ =	shalt  }
0x4b: {  	_ =	shalt  }
0x4c: {  	_ =	shalt  }
0x4d: {  	_ =	shalt  }
0x4e: {  	_ =	shalt  }
0x4f: {  	_ =	shalt  }
0x50: {  	_ =	shalt  }
0x51: {  	_ =	shalt  }
0x52: {  	_ =	shalt  }
0x53: {  	_ =	shalt  }
0x54: {  	_ =	shalt  }
0x55: {  	_ =	shalt  }
0x56: {  	_ =	shalt  }
0x57: {  	_ =	shalt  }
0x58: {  	_ =	shalt  }
0x59: {  	_ =	shalt  }
0x5a: {  	_ =	shalt  }
0x5b: {  	_ =	shalt  }
0x5c: {  	_ =	shalt  }
0x5d: {  	_ =	shalt  }
0x5e: {  	_ =	shalt  }
0x5f: {  	_ =	shalt  }
0x60: {  	_ =	shalt  }
0x61: {  	_ =	shalt  }
0x62: {  	_ =	shalt  }
0x63: {  	_ =	shalt  }
0x64: {  	_ =	shalt  }
0x65: {  	_ =	shalt  }
0x66: {  	_ =	shalt  }
0x67: {  	_ =	shalt  }
0x68: {  	_ =	shalt  }
0x69: {  	_ =	shalt  }
0x6a: {  	_ =	shalt  }
0x6b: {  	_ =	shalt  }
0x6c: {  	_ =	shalt  }
0x6d: {  	_ =	shalt  }
0x6e: {  	_ =	shalt  }
0x6f: {  	_ =	shalt  }
0x70: {  	_ =	shalt  }
0x71: {  	_ =	shalt  }
0x72: {  	_ =	shalt  }
0x73: {  	_ =	shalt  }
0x74: {  	_ =	shalt  }
0x75: {  	_ =	shalt  }
0x76: {  	_ =	shalt  }
0x77: {  	_ =	shalt  }
0x78: {  	_ =	shalt  }
0x79: {  	_ =	shalt  }
0x7a: {  	_ =	shalt  }
0x7b: {  	_ =	shalt  }
0x7c: {  	_ =	shalt  }
0x7d: {  	_ =	shalt  }
0x7e: {  	_ =	shalt  }
0x7f: {  	_ =	shalt  }
0x80: {  	_ =	shalt  }
0x81: {  	_ =	shalt  }
0x82: {  	_ =	shalt  }
0x83: {  	_ =	shalt  }
0x84: {  	_ =	shalt  }
0x85: {  	_ =	shalt  }
0x86: {  	_ =	shalt  }
0x87: {  	_ =	shalt  }
.Lfunc_end0:
.L_simem_size_0:
called_computation_lowered:
.L_overlay_start_0:
0x88: {  	s2 =	sld [smem:$0x3FD9]  }
0x89: {  	s3 =	sld [smem:$0x3FFE];
	_ =	sdelay $0x1  }
0x8a: {  	s1 =	srdreg.scid  }
0x8b: {  	s0 =	sand.u32 $0x1, s1  }
0x8c: {  	s17 =	sshll.u32 s0, $0xA;
	s2 =	sadd.s32 s3, s2  }
0x8d: {  	s2 =	sadd.s32 s2, s17  }
0x8e: {  	[smem:$0x3FC7] =	sst s2  }
0x8f: {  	_ = 	snop  }
0x90: {  	s2 =	sld [smem:$0x3FC9]  }
0x91: {  	s18 =	sld [smem:$0x3FD0];
	(tm) =	ssettm $0x1  }
0x92: {  	s4 =	sld [smem:$0x3FFB];
	_ =	sdelay $0x3  }
0x93: {  	_ =	strace s4  }
0x94: {  	s4 =	sld [smem:$0x3FFC];
	_ =	sdelay $0x3  }
0x95: {  	_ =	strace s4  }
0x96: {  	s4 =	sld [smem:$0x3FFD];
	_ =	sdelay $0x3  }
0x97: {  	_ =	strace s4  }
0x98: {  	_ =	strace $0x8FFFFFFF  }
0x99: {  	s19 =	sld [smem:$0x3FDB];
	_ =	sdelay $0x1  }
0x9a: {  	s5 =	simm.s32 $_scs_section_size  }
0x9b: {  	s6 =	simm.s32 $_size__tile_overlayer_lowered;
	s7 =	simm.s32 $_tile_overlayer_lowered  }
0x9c: {  	s22 =	simm.s32 $0x1BFF;
	s21 =	sshll.u32 s7, $0x1;
	s4 =	sadd.s32 s5, s19  }
0x9d: {  	s8 =	simm.s32 $0x0;
	s20 =	sshll.u32 s6, $0x1;
	s6 =	sadd.s32 s21, s4  }
0x9e: {  	[timem:s8], [sflag:s22] =	dma.local [hbm:s6], s20  }
0x9f: {  	_ =	swait.ge [sflag:s22], s20  }
0xa0: {  	s5 =	ssub.s32 $0x0, s20;
	[sflag:s22] =	ssyncset.done $0x0  }
0xa1: {  	[sflag:s22] =	ssyncadd.s32 s5;
	_ =	sdelay $0x1  }
0xa2: {  	s23 =	simm.s32 $0x1B8B  }
0xa3: {  	_ =	swait.ge [sflag:s23], $0x1  }
0xa4: {  	[sflag:s23] =	ssyncset.done $0x0  }
0xa5: {  	s25 =	simm.s32 $0x1B8E;
	s24 =	sld [smem:$0x3FFE];
	[sflag:s23] =	ssyncadd.s32 $0xFFFFFFFF  }
0xa6: {  	s26 =	simm.s32 $execute0_lowered;
	[smem:$0x3FD2] =	sst s25  }
0xa7: {  	s6 =	sshll.u32 s26, $0x1;
	_ =	strace $0x80000046;
	[dreg:$0x1] =	wrdreg $0xFFFFFFFF  }
0xa8: {  	s28 =	simm.s32 $_size_execute0_lowered;
	s4 =	sadd.s32 s4, s6;
	[dreg:$0x0] =	wrdreg $0x0  }
0xa9: {  	s6 =	sshll.u32 s28, $0x1;
	[dreg:$0x2] =	wrdreg s4  }
0xaa: {  	[dreg:$0x3] =	wrdreg s6  }
0xab: {  	[dreg:$0x4] =	wrdreg $0xC0  }
0xac: {  	_ =	task [dreg:s8], $0x5FFFF  }
0xad: {  	[dreg:$0x1] =	wrdreg $0xFFFFFFFF  }
0xae: {  	[dreg:$0x0] =	wrdreg $0x60  }
0xaf: {  	[dreg:$0x2] =	wrdreg s2  }
0xb0: {  	[dreg:$0x3] =	wrdreg s24  }
0xb1: {  	[dreg:$0x4] =	wrdreg s18  }
0xb2: {  	[dreg:$0x5] =	wrdreg $0x9  }
0xb3: {  	_ =	task.clear_ibuf [dreg:s8], $0x6FFFF;
	_ =	strace $0x90000046  }
0xb4: {  	s29 =	simm.s32 $0x9;
	_ =	strace $0x80000048  }
0xb5: {  	_ =	swait.ge [sflag:s29], $0x1  }
0xb6: {  	[sflag:s29] =	ssyncadd.s32 $0xFFFFFFFF  }
0xb7: {  	_ =	strace $0x90000048  }
0xb8: {  	_ =	sfence  }
0xb9: {  	s30 =	sld [smem:$0x0];
	_ =	sdelay $0x2  }
0xba: {  	s31 =	sshll.u32 s1, $0xD;
	s1 =	sshrl.u32 s1, $0x2  }
0xbb: {  	s3 =	sand.u32 $0x4000, s31;
	s1 =	sadd.s32 s1, s30  }
0xbc: {  	s0 =	sor.u32 s3, s0;
	s1 =	sshll.u32 s1, $0x11  }
0xbd: {  	s0 =	sor.u32 s1, s0  }
0xbe: {  	s0 =	sadd.s32 $0x8F2B, s0  }
0xbf: {  	[sflag:s0] =	ssyncadd.remote.s32 $0x1  }
0xc0: {  	_ =	sfence.sel $0xFFFF  }
0xc1: {  	[dreg:$0x0] =	wrdreg $0xFFFFFFFF;
	(pc) =	sbr.abs _section_cstart, $3  }
0xc2: {  	[dreg:$0x1] =	wrdreg $0xFFFFFFFF  }
0xc3: {  	_ =	task.clear_ibuf [dreg:s8], $0x2FFFF;
	_ =	strace $0x9FFFFFFF  }
0xc4: {  	(tm) =	ssettm $0x7FFFFFFF  }
0xc5: {  	_ =	shalt  }
tec
execute0_lowered:
.L_overlay_start_1:
0x0: {  	(tag) =	ssettag $0x1  }
0x1: {  	s0 =	rddreg [dreg:$0x0]  }
0x2: {  	s1 =	rddreg [dreg:$0x1]  }
0x3: {  	s2 =	rddreg [dreg:$0x2];
	s3 =	simm.s32 $0x0;
	s25 =	srdreg.scid  }
0x4: {  	s5 =	stileid.u32;
	s18 =	simm.s32 $0x80;
	s19 =	simm.s32 $0x400  }
0x5: {  	s20 =	simm.s32 $0x4000;
	s22 =	simm.s32 $0x3;
	s23 =	simm.s32 $0xC000  }
0x6: {  	s24 =	simm.s32 $0x1;
	s28 =	simm.s32 $0x18000;
	s29 =	simm.s32 $0x4  }
0x7: {  	s30 =	simm.s32 $0x5;
	s31 =	simm.s32 $0x6;
	[smem:$0x7FF] =	sst s3  }
0x8: {  	s3 =	sand.u32 $0x1, s25;
	s5 =	sshll.u32 s5, $0xF;
	s26 =	sadd.s32 $0x4000, s2  }
0x9: {  	s25 =	simm.s32 $0x14000;
	_ =	strace $0x80000047;
	s4 =	ssub.s32 $0x2, s3  }
0xa: {  	s6 =	sshll.u32 s3, $0x6;
	s3 =	sadd.s32 $0x400, s1;
	s7 =	sshrl.u32 s4, $0x1  }
0xb: {  	s11 =	sor.u32 s6, s5;
	s5 =	sadd.s32 $0x800, s1;
	s17 =	ssub.s32 s4, s7  }
0xc: {  	s4 =	sadd.s32 s0, s11;
	s12 =	sor.u32 $0x10, s11;
	s7 =	sadd.s32 s2, s11  }
0xd: {  	s8 =	sadd.s32 s11, s26;
	s14 =	sor.u32 $0x20, s11;
	s16 =	sor.u32 $0x30, s11  }
0xe: {  	s6 =	sadd.s32 s0, s12;
	s9 =	sadd.s32 s0, s14;
	s10 =	sadd.s32 s2, s12  }
0xf: {  	s11 =	sadd.s32 s12, s26;
	s12 =	sadd.s32 s0, s16;
	s13 =	sadd.s32 s2, s14  }
0x10: {  	s14 =	sadd.s32 s14, s26;
	s15 =	sadd.s32 s2, s16;
	s16 =	sadd.s32 s16, s26  }
0x11: {  	s17 =	smax.u32 s17, $0x1;
	s26 =	simm.s32 $0x2;
	s0 =	simm.s32 $0x0  }
.LBB2_1:
0x12: {  	[tilespmem:s20], [sflag:$0x3] =	stream.strided.gather [hbm4b:s4+s18], $0x8000, s19, s18, $0x38;
	[tilespmem:$0x1C000] =	vst v63  }
0x13: {  	s1 =	simm.s32 $0x0  }
0x14: {  	[tilespmem:s1], [sflag:$0x1] =	stream.linear.gather [hbm4b:s3+s1], $0x2000, $0x38;
	[tilespmem:$0x1C000] =	vst v63  }
0x15: {  	s2 =	simm.s32 $0x2000  }
0x16: {  	[tilespmem:s2], [sflag:$0x2] =	stream.linear.gather [hbm4b:s5+s1], $0x2000, $0x38;
	[tilespmem:$0x1C000] =	vst v63  }
0x17: {  	_ =	swait.ge [sflag:s22], $0x8000  }
0x18: {  	[sflag:s22] =	ssyncset.done $0x0  }
0x19: {  	[sflag:s22] =	ssyncadd.s32 $0xFFFF8000  }
0x1a: {  	[tilespmem:s23], [sflag:$0x4] =	stream.strided.gather [hbm4b:s6+s18], $0x8000, s19, s18, $0x38;
	[tilespmem:$0x1C000] =	vst v63  }
0x1b: {  	_ =	swait.ge [sflag:s24], $0x2000  }
0x1c: {  	[sflag:s24] =	ssyncset.done $0x0  }
0x1d: {  	s21 =	simm.s32 $0x40;
	[sflag:s24] =	ssyncadd.s32 $0xFFFFE000  }
0x1e: {  	v0 =	vld [tilespmem:s21+$0x30]  }
0x1f: {  	v1 =	vld [tilespmem:s21+$0xFFFFFFD0]  }
0x20: {  	v2 =	vld [tilespmem:s21+$0xFFFFFFE0]  }
0x21: {  	v3 =	vld [tilespmem:s21+$0xFFFFFFF0]  }
0x22: {  	v4 =	vld [tilespmem:s21+$0x0]  }
0x23: {  	v5 =	vld [tilespmem:s21+$0x10];
	v6 =	vand.u32 $0xFFFF, v0  }
0x24: {  	v8 =	vld [tilespmem:s21+$0x20];
	v7 =	vand.u32 $0xFFFF, v1  }
0x25: {  	v10 =	vld [tilespmem:s21+$0xFFFFFFC0];
	v9 =	vand.u32 $0xFFFF, v2  }
0x26: {  	v11 =	vand.u32 $0xFFFF, v3  }
0x27: {  	v12 =	vand.u32 $0xFFFF, v4  }
0x28: {  	v13 =	vand.u32 $0xFFFF, v5;
	v6 =	vld.idx.msk [tilespmem:v6+s20+$0x0], $0xffff  }
0x29: {  	v14 =	vand.u32 $0xFFFF, v8;
	v7 =	vld.idx.msk [tilespmem:v7+s20+$0x0], $0xffff  }
0x2a: {  	v15 =	vand.u32 $0xFFFF, v10;
	v9 =	vld.idx.msk [tilespmem:v9+s20+$0x0], $0xffff  }
0x2b: {  	v0 =	vshrl.u32 v0, $0x10;
	v11 =	vld.idx.msk [tilespmem:v11+s20+$0x0], $0xffff  }
0x2c: {  	v1 =	vshrl.u32 v1, $0x10;
	v12 =	vld.idx.msk [tilespmem:v12+s20+$0x0], $0xffff  }
0x2d: {  	s1 =	simm.s32 $0x14080;
	v16 =	vshrl.u32 v2, $0x10;
	v13 =	vld.idx.msk [tilespmem:v13+s20+$0x0], $0xffff  }
0x2e: {  	v17 =	vshrl.u32 v3, $0x10;
	v14 =	vld.idx.msk [tilespmem:v14+s20+$0x0], $0xffff;
	[tilespmem:s1+$0x60] =	vst v6  }
0x2f: {  	v2 =	vld.idx.msk [tilespmem:v15+s20+$0x0], $0xffff;
	v6 =	vshrl.u32 v4, $0x10;
	[tilespmem:s1+$0xFFFFFFA0] =	vst v7  }
0x30: {  	v7 =	vshrl.u32 v5, $0x10;
	[tilespmem:s1+$0xFFFFFFC0] =	vst v9;
	v18 =	vld.idx.msk [tilespmem:v0+s20+$0x0], $0xffff  }
0x31: {  	[tilespmem:s1+$0xFFFFFFE0] =	vst v11;
	v3 =	vld.idx.msk [tilespmem:v1+s20+$0x0], $0xffff  }
0x32: {  	[tilespmem:s1+$0x0] =	vst v12;
	v4 =	vld.idx.msk [tilespmem:v16+s20+$0x0], $0xffff  }
0x33: {  	[tilespmem:s1+$0x20] =	vst v13;
	v5 =	vld.idx.msk [tilespmem:v17+s20+$0x0], $0xffff  }
0x34: {  	[tilespmem:s1+$0x40] =	vst v14;
	v6 =	vld.idx.msk [tilespmem:v6+s20+$0x0], $0xffff  }
0x35: {  	s2 =	simm.s32 $0xC0;
	s21 =	simm.s32 $0x0;
	v0 =	vshrl.u32 v8, $0x10;
	v1 =	vshrl.u32 v10, $0x10;
	v7 =	vld.idx.msk [tilespmem:v7+s20+$0x0], $0xffff;
	[tilespmem:s1+$0x70] =	vst v18  }
.LBB2_2:
0x36: {  	v8 =	vld [tilespmem:s2+$0x30];
	s21 =	sadd.s32 $0x100, s21;
	[tilespmem:s1+$0xFFFFFF80] =	vst v2  }
0x37: {  	v2 =	vld [tilespmem:s2+$0xFFFFFFD0];
	p0 =	slt.u32 s21, $0x3F00;
	[tilespmem:s1+$0xFFFFFFB0] =	vst v3  }
0x38: {  	v3 =	vld [tilespmem:s2+$0xFFFFFFE0];
	[tilespmem:s1+$0xFFFFFFD0] =	vst v4  }
0x39: {  	v4 =	vld [tilespmem:s2+$0xFFFFFFF0];
	[tilespmem:s1+$0xFFFFFFF0] =	vst v5  }
0x3a: {  	v5 =	vld [tilespmem:s2+$0x0];
	[tilespmem:s1+$0x10] =	vst v6  }
0x3b: {  	v6 =	vld [tilespmem:s2+$0x10];
	v9 =	vand.u32 $0xFFFF, v8;
	[tilespmem:s1+$0x30] =	vst v7  }
0x3c: {  	v7 =	vshrl.u32 v2, $0x10;
	v2 =	vand.u32 $0xFFFF, v2;
	v10 =	vld [tilespmem:s2+$0x20]  }
0x3d: {  	v11 =	vld [tilespmem:s2+$0xFFFFFFC0];
	v12 =	vshrl.u32 v3, $0x10;
	v3 =	vand.u32 $0xFFFF, v3  }
0x3e: {  	v13 =	vshrl.u32 v4, $0x10;
	v4 =	vand.u32 $0xFFFF, v4;
	v14 =	vld.idx.msk [tilespmem:v1+s20+$0x0], $0xffff  }
0x3f: {  	v15 =	vshrl.u32 v5, $0x10;
	v5 =	vand.u32 $0xFFFF, v5;
	v16 =	vld.idx.msk [tilespmem:v0+s20+$0x0], $0xffff  }
0x40: {  	v17 =	vshrl.u32 v6, $0x10;
	v6 =	vand.u32 $0xFFFF, v6;
	v9 =	vld.idx.msk [tilespmem:v9+s20+$0x0], $0xffff  }
0x41: {  	v2 =	vld.idx.msk [tilespmem:v2+s20+$0x0], $0xffff;
	v0 =	vshrl.u32 v10, $0x10;
	v10 =	vand.u32 $0xFFFF, v10  }
0x42: {  	v8 =	vshrl.u32 v8, $0x10;
	v1 =	vshrl.u32 v11, $0x10;
	v11 =	vand.u32 $0xFFFF, v11;
	v3 =	vld.idx.msk [tilespmem:v3+s20+$0x0], $0xffff  }
0x43: {  	v4 =	vld.idx.msk [tilespmem:v4+s20+$0x0], $0xffff  }
0x44: {  	v5 =	vld.idx.msk [tilespmem:v5+s20+$0x0], $0xffff;
	[tilespmem:s1+$0xFFFFFF90] =	vst v14  }
0x45: {  	v6 =	vld.idx.msk [tilespmem:v6+s20+$0x0], $0xffff;
	[tilespmem:s1+$0x50] =	vst v16;
	s1 =	sadd.s32 $0x100, s1  }
0x46: {  	v10 =	vld.idx.msk [tilespmem:v10+s20+$0x0], $0xffff;
	[tilespmem:s1+$0x60] =	vst v9  }
0x47: {  	[tilespmem:s1+$0xFFFFFFA0] =	vst v2;
	v8 =	vld.idx.msk [tilespmem:v8+s20+$0x0], $0xffff  }
0x48: {  	v2 =	vld.idx.msk [tilespmem:v11+s20+$0x0], $0xffff;
	[tilespmem:s1+$0xFFFFFFC0] =	vst v3  }
.Ltmp0:
0x49: {  	v3 =	vld.idx.msk [tilespmem:v7+s20+$0x0], $0xffff;
	[tilespmem:s1+$0xFFFFFFE0] =	vst v4;
	(pc) =	sbr.rel @p0 .LBB2_2-.Ltmp0, $4  }
0x4a: {  	v4 =	vld.idx.msk [tilespmem:v12+s20+$0x0], $0xffff;
	[tilespmem:s1+$0x0] =	vst v5  }
0x4b: {  	v5 =	vld.idx.msk [tilespmem:v13+s20+$0x0], $0xffff;
	[tilespmem:s1+$0x20] =	vst v6  }
0x4c: {  	v6 =	vld.idx.msk [tilespmem:v15+s20+$0x0], $0xffff;
	[tilespmem:s1+$0x40] =	vst v10  }
0x4d: {  	s2 =	sadd.s32 $0x80, s2;
	v7 =	vld.idx.msk [tilespmem:v17+s20+$0x0], $0xffff;
	[tilespmem:s1+$0x70] =	vst v8  }
0x4e: {  	_ =	sdelay $0x2  }
0x4f: {  	[tilespmem:s1+$0xFFFFFF80] =	vst v2  }
0x50: {  	[tilespmem:s1+$0xFFFFFFB0] =	vst v3;
	v0 =	vld.idx.msk [tilespmem:v0+s20+$0x0], $0xffff  }
0x51: {  	v1 =	vld.idx.msk [tilespmem:v1+s20+$0x0], $0xffff;
	[tilespmem:s1+$0xFFFFFFD0] =	vst v4  }
0x52: {  	[tilespmem:s1+$0xFFFFFFF0] =	vst v5  }
0x53: {  	[tilespmem:s1+$0x10] =	vst v6  }
0x54: {  	[tilespmem:s1+$0x30] =	vst v7  }
0x55: {  	[tilespmem:s1+$0x50] =	vst v0  }
0x56: {  	[tilespmem:s1+$0xFFFFFF90] =	vst v1  }
0x57: {  	[hbm4b:s7+s18] =	stream.strided.scatter [tilespmem:s25], [sflag:$0x5], $0x4000, s19, s18, $0x38;
	[tilespmem:$0x1C000] =	vst v63  }
0x58: {  	_ =	swait.ge [sflag:s26], $0x2000  }
0x59: {  	[sflag:s26] =	ssyncset.done $0x0  }
0x5a: {  	s21 =	simm.s32 $0x2070;
	[sflag:s26] =	ssyncadd.s32 $0xFFFFE000  }
0x5b: {  	v0 =	vld [tilespmem:s21+$0x0]  }
0x5c: {  	v1 =	vld [tilespmem:s21+$0xFFFFFFA0]  }
0x5d: {  	v2 =	vld [tilespmem:s21+$0xFFFFFFB0]  }
0x5e: {  	v3 =	vld [tilespmem:s21+$0xFFFFFFC0]  }
0x5f: {  	v4 =	vld [tilespmem:s21+$0xFFFFFFD0]  }
0x60: {  	v5 =	vld [tilespmem:s21+$0xFFFFFFE0];
	v6 =	vand.u32 $0xFFFF, v0  }
0x61: {  	v8 =	vld [tilespmem:s21+$0xFFFFFFF0];
	v7 =	vand.u32 $0xFFFF, v1  }
0x62: {  	v10 =	vld [tilespmem:s21+$0xFFFFFF90];
	v9 =	vand.u32 $0xFFFF, v2  }
0x63: {  	v11 =	vand.u32 $0xFFFF, v3  }
0x64: {  	v12 =	vand.u32 $0xFFFF, v4  }
0x65: {  	v13 =	vand.u32 $0xFFFF, v5;
	v6 =	vld.idx.msk [tilespmem:v6+s20+$0x0], $0xffff  }
0x66: {  	v14 =	vand.u32 $0xFFFF, v8;
	v7 =	vld.idx.msk [tilespmem:v7+s20+$0x0], $0xffff  }
0x67: {  	v15 =	vand.u32 $0xFFFF, v10;
	v9 =	vld.idx.msk [tilespmem:v9+s20+$0x0], $0xffff  }
0x68: {  	v0 =	vshrl.u32 v0, $0x10;
	v11 =	vld.idx.msk [tilespmem:v11+s20+$0x0], $0xffff  }
0x69: {  	v1 =	vshrl.u32 v1, $0x10;
	v12 =	vld.idx.msk [tilespmem:v12+s20+$0x0], $0xffff  }
0x6a: {  	s1 =	simm.s32 $0x18080;
	v16 =	vshrl.u32 v2, $0x10;
	v13 =	vld.idx.msk [tilespmem:v13+s20+$0x0], $0xffff  }
0x6b: {  	v17 =	vshrl.u32 v3, $0x10;
	v14 =	vld.idx.msk [tilespmem:v14+s20+$0x0], $0xffff;
	[tilespmem:s1+$0x60] =	vst v6  }
0x6c: {  	v2 =	vld.idx.msk [tilespmem:v15+s20+$0x0], $0xffff;
	v6 =	vshrl.u32 v4, $0x10;
	[tilespmem:s1+$0xFFFFFFA0] =	vst v7  }
0x6d: {  	v7 =	vshrl.u32 v5, $0x10;
	[tilespmem:s1+$0xFFFFFFC0] =	vst v9;
	v18 =	vld.idx.msk [tilespmem:v0+s20+$0x0], $0xffff  }
0x6e: {  	[tilespmem:s1+$0xFFFFFFE0] =	vst v11;
	v3 =	vld.idx.msk [tilespmem:v1+s20+$0x0], $0xffff  }
0x6f: {  	[tilespmem:s1+$0x0] =	vst v12;
	v4 =	vld.idx.msk [tilespmem:v16+s20+$0x0], $0xffff  }
0x70: {  	[tilespmem:s1+$0x20] =	vst v13;
	v5 =	vld.idx.msk [tilespmem:v17+s20+$0x0], $0xffff  }
0x71: {  	[tilespmem:s1+$0x40] =	vst v14;
	v6 =	vld.idx.msk [tilespmem:v6+s20+$0x0], $0xffff  }
0x72: {  	s2 =	simm.s32 $0x20F0;
	s21 =	simm.s32 $0x0;
	v0 =	vshrl.u32 v8, $0x10;
	v1 =	vshrl.u32 v10, $0x10;
	v7 =	vld.idx.msk [tilespmem:v7+s20+$0x0], $0xffff;
	[tilespmem:s1+$0x70] =	vst v18  }
.LBB2_4:
0x73: {  	v8 =	vld [tilespmem:s2+$0x0];
	s21 =	sadd.s32 $0x100, s21;
	[tilespmem:s1+$0xFFFFFF80] =	vst v2  }
0x74: {  	v2 =	vld [tilespmem:s2+$0xFFFFFFA0];
	p0 =	slt.u32 s21, $0x3F00;
	[tilespmem:s1+$0xFFFFFFB0] =	vst v3  }
0x75: {  	v3 =	vld [tilespmem:s2+$0xFFFFFFB0];
	[tilespmem:s1+$0xFFFFFFD0] =	vst v4  }
0x76: {  	v4 =	vld [tilespmem:s2+$0xFFFFFFC0];
	[tilespmem:s1+$0xFFFFFFF0] =	vst v5  }
0x77: {  	v5 =	vld [tilespmem:s2+$0xFFFFFFD0];
	[tilespmem:s1+$0x10] =	vst v6  }
0x78: {  	v6 =	vld [tilespmem:s2+$0xFFFFFFE0];
	v9 =	vand.u32 $0xFFFF, v8;
	[tilespmem:s1+$0x30] =	vst v7  }
0x79: {  	v7 =	vshrl.u32 v2, $0x10;
	v2 =	vand.u32 $0xFFFF, v2;
	v10 =	vld [tilespmem:s2+$0xFFFFFFF0]  }
0x7a: {  	v11 =	vld [tilespmem:s2+$0xFFFFFF90];
	v12 =	vshrl.u32 v3, $0x10;
	v3 =	vand.u32 $0xFFFF, v3  }
0x7b: {  	v13 =	vshrl.u32 v4, $0x10;
	v4 =	vand.u32 $0xFFFF, v4;
	v14 =	vld.idx.msk [tilespmem:v1+s20+$0x0], $0xffff  }
0x7c: {  	v15 =	vshrl.u32 v5, $0x10;
	v5 =	vand.u32 $0xFFFF, v5;
	v16 =	vld.idx.msk [tilespmem:v0+s20+$0x0], $0xffff  }
0x7d: {  	v17 =	vshrl.u32 v6, $0x10;
	v6 =	vand.u32 $0xFFFF, v6;
	v9 =	vld.idx.msk [tilespmem:v9+s20+$0x0], $0xffff  }
0x7e: {  	v2 =	vld.idx.msk [tilespmem:v2+s20+$0x0], $0xffff;
	v0 =	vshrl.u32 v10, $0x10;
	v10 =	vand.u32 $0xFFFF, v10  }
0x7f: {  	v8 =	vshrl.u32 v8, $0x10;
	v1 =	vshrl.u32 v11, $0x10;
	v11 =	vand.u32 $0xFFFF, v11;
	v3 =	vld.idx.msk [tilespmem:v3+s20+$0x0], $0xffff  }
0x80: {  	v4 =	vld.idx.msk [tilespmem:v4+s20+$0x0], $0xffff  }
0x81: {  	v5 =	vld.idx.msk [tilespmem:v5+s20+$0x0], $0xffff;
	[tilespmem:s1+$0xFFFFFF90] =	vst v14  }
0x82: {  	v6 =	vld.idx.msk [tilespmem:v6+s20+$0x0], $0xffff;
	[tilespmem:s1+$0x50] =	vst v16;
	s1 =	sadd.s32 $0x100, s1  }
0x83: {  	v10 =	vld.idx.msk [tilespmem:v10+s20+$0x0], $0xffff;
	[tilespmem:s1+$0x60] =	vst v9  }
0x84: {  	[tilespmem:s1+$0xFFFFFFA0] =	vst v2;
	v8 =	vld.idx.msk [tilespmem:v8+s20+$0x0], $0xffff  }
0x85: {  	v2 =	vld.idx.msk [tilespmem:v11+s20+$0x0], $0xffff;
	[tilespmem:s1+$0xFFFFFFC0] =	vst v3  }
.Ltmp1:
0x86: {  	v3 =	vld.idx.msk [tilespmem:v7+s20+$0x0], $0xffff;
	[tilespmem:s1+$0xFFFFFFE0] =	vst v4;
	(pc) =	sbr.rel @p0 .LBB2_4-.Ltmp1, $4  }
0x87: {  	v4 =	vld.idx.msk [tilespmem:v12+s20+$0x0], $0xffff;
	[tilespmem:s1+$0x0] =	vst v5  }
0x88: {  	v5 =	vld.idx.msk [tilespmem:v13+s20+$0x0], $0xffff;
	[tilespmem:s1+$0x20] =	vst v6  }
0x89: {  	v6 =	vld.idx.msk [tilespmem:v15+s20+$0x0], $0xffff;
	[tilespmem:s1+$0x40] =	vst v10  }
0x8a: {  	s2 =	sadd.s32 $0x80, s2;
	v7 =	vld.idx.msk [tilespmem:v17+s20+$0x0], $0xffff;
	[tilespmem:s1+$0x70] =	vst v8  }
0x8b: {  	_ =	sdelay $0x2  }
0x8c: {  	[tilespmem:s1+$0xFFFFFF80] =	vst v2  }
0x8d: {  	[tilespmem:s1+$0xFFFFFFB0] =	vst v3;
	v0 =	vld.idx.msk [tilespmem:v0+s20+$0x0], $0xffff  }
0x8e: {  	v1 =	vld.idx.msk [tilespmem:v1+s20+$0x0], $0xffff;
	[tilespmem:s1+$0xFFFFFFD0] =	vst v4  }
0x8f: {  	[tilespmem:s1+$0xFFFFFFF0] =	vst v5  }
0x90: {  	[tilespmem:s1+$0x10] =	vst v6  }
0x91: {  	[tilespmem:s1+$0x30] =	vst v7  }
0x92: {  	[tilespmem:s1+$0x50] =	vst v0  }
0x93: {  	[tilespmem:s1+$0xFFFFFF90] =	vst v1  }
0x94: {  	[hbm4b:s8+s18] =	stream.strided.scatter [tilespmem:s28], [sflag:$0x6], $0x4000, s19, s18, $0x38;
	[tilespmem:$0x1C000] =	vst v63  }
0x95: {  	_ =	swait.ge [sflag:s29], $0x8000  }
0x96: {  	[sflag:s29] =	ssyncset.done $0x0  }
0x97: {  	[sflag:s29] =	ssyncadd.s32 $0xFFFF8000  }
0x98: {  	[tilespmem:s20], [sflag:$0x3] =	stream.strided.gather [hbm4b:s9+s18], $0x8000, s19, s18, $0x38;
	[tilespmem:$0x1C000] =	vst v63  }
0x99: {  	_ =	swait.ge [sflag:s30], $0x4000  }
0x9a: {  	[sflag:s30] =	ssyncset.done $0x0  }
0x9b: {  	s21 =	simm.s32 $0x40;
	[sflag:s30] =	ssyncadd.s32 $0xFFFFC000  }
0x9c: {  	v0 =	vld [tilespmem:s21+$0x30]  }
0x9d: {  	v1 =	vld [tilespmem:s21+$0xFFFFFFD0]  }
0x9e: {  	v2 =	vld [tilespmem:s21+$0xFFFFFFE0]  }
0x9f: {  	v3 =	vld [tilespmem:s21+$0xFFFFFFF0]  }
0xa0: {  	v4 =	vld [tilespmem:s21+$0x0]  }
0xa1: {  	v5 =	vld [tilespmem:s21+$0x10];
	v6 =	vand.u32 $0xFFFF, v0  }
0xa2: {  	v8 =	vld [tilespmem:s21+$0x20];
	v7 =	vand.u32 $0xFFFF, v1  }
0xa3: {  	v10 =	vld [tilespmem:s21+$0xFFFFFFC0];
	v9 =	vand.u32 $0xFFFF, v2  }
0xa4: {  	v11 =	vand.u32 $0xFFFF, v3  }
0xa5: {  	v12 =	vand.u32 $0xFFFF, v4  }
0xa6: {  	v13 =	vand.u32 $0xFFFF, v5;
	v6 =	vld.idx.msk [tilespmem:v6+s23+$0x0], $0xffff  }
0xa7: {  	v14 =	vand.u32 $0xFFFF, v8;
	v7 =	vld.idx.msk [tilespmem:v7+s23+$0x0], $0xffff  }
0xa8: {  	v15 =	vand.u32 $0xFFFF, v10;
	v9 =	vld.idx.msk [tilespmem:v9+s23+$0x0], $0xffff  }
0xa9: {  	v0 =	vshrl.u32 v0, $0x10;
	v11 =	vld.idx.msk [tilespmem:v11+s23+$0x0], $0xffff  }
0xaa: {  	v1 =	vshrl.u32 v1, $0x10;
	v12 =	vld.idx.msk [tilespmem:v12+s23+$0x0], $0xffff  }
0xab: {  	s1 =	simm.s32 $0x14080;
	v16 =	vshrl.u32 v2, $0x10;
	v13 =	vld.idx.msk [tilespmem:v13+s23+$0x0], $0xffff  }
0xac: {  	v17 =	vshrl.u32 v3, $0x10;
	v14 =	vld.idx.msk [tilespmem:v14+s23+$0x0], $0xffff;
	[tilespmem:s1+$0x60] =	vst v6  }
0xad: {  	v2 =	vld.idx.msk [tilespmem:v15+s23+$0x0], $0xffff;
	v6 =	vshrl.u32 v4, $0x10;
	[tilespmem:s1+$0xFFFFFFA0] =	vst v7  }
0xae: {  	v7 =	vshrl.u32 v5, $0x10;
	[tilespmem:s1+$0xFFFFFFC0] =	vst v9;
	v18 =	vld.idx.msk [tilespmem:v0+s23+$0x0], $0xffff  }
0xaf: {  	[tilespmem:s1+$0xFFFFFFE0] =	vst v11;
	v3 =	vld.idx.msk [tilespmem:v1+s23+$0x0], $0xffff  }
0xb0: {  	[tilespmem:s1+$0x0] =	vst v12;
	v4 =	vld.idx.msk [tilespmem:v16+s23+$0x0], $0xffff  }
0xb1: {  	[tilespmem:s1+$0x20] =	vst v13;
	v5 =	vld.idx.msk [tilespmem:v17+s23+$0x0], $0xffff  }
0xb2: {  	[tilespmem:s1+$0x40] =	vst v14;
	v6 =	vld.idx.msk [tilespmem:v6+s23+$0x0], $0xffff  }
0xb3: {  	s2 =	simm.s32 $0xC0;
	s21 =	simm.s32 $0x0;
	v0 =	vshrl.u32 v8, $0x10;
	v1 =	vshrl.u32 v10, $0x10;
	v7 =	vld.idx.msk [tilespmem:v7+s23+$0x0], $0xffff;
	[tilespmem:s1+$0x70] =	vst v18  }
.LBB2_6:
0xb4: {  	v8 =	vld [tilespmem:s2+$0x30];
	s21 =	sadd.s32 $0x100, s21;
	[tilespmem:s1+$0xFFFFFF80] =	vst v2  }
0xb5: {  	v2 =	vld [tilespmem:s2+$0xFFFFFFD0];
	p0 =	slt.u32 s21, $0x3F00;
	[tilespmem:s1+$0xFFFFFFB0] =	vst v3  }
0xb6: {  	v3 =	vld [tilespmem:s2+$0xFFFFFFE0];
	[tilespmem:s1+$0xFFFFFFD0] =	vst v4  }
0xb7: {  	v4 =	vld [tilespmem:s2+$0xFFFFFFF0];
	[tilespmem:s1+$0xFFFFFFF0] =	vst v5  }
0xb8: {  	v5 =	vld [tilespmem:s2+$0x0];
	[tilespmem:s1+$0x10] =	vst v6  }
0xb9: {  	v6 =	vld [tilespmem:s2+$0x10];
	v9 =	vand.u32 $0xFFFF, v8;
	[tilespmem:s1+$0x30] =	vst v7  }
0xba: {  	v7 =	vshrl.u32 v2, $0x10;
	v2 =	vand.u32 $0xFFFF, v2;
	v10 =	vld [tilespmem:s2+$0x20]  }
0xbb: {  	v11 =	vld [tilespmem:s2+$0xFFFFFFC0];
	v12 =	vshrl.u32 v3, $0x10;
	v3 =	vand.u32 $0xFFFF, v3  }
0xbc: {  	v13 =	vshrl.u32 v4, $0x10;
	v4 =	vand.u32 $0xFFFF, v4;
	v14 =	vld.idx.msk [tilespmem:v1+s23+$0x0], $0xffff  }
0xbd: {  	v15 =	vshrl.u32 v5, $0x10;
	v5 =	vand.u32 $0xFFFF, v5;
	v16 =	vld.idx.msk [tilespmem:v0+s23+$0x0], $0xffff  }
0xbe: {  	v17 =	vshrl.u32 v6, $0x10;
	v6 =	vand.u32 $0xFFFF, v6;
	v9 =	vld.idx.msk [tilespmem:v9+s23+$0x0], $0xffff  }
0xbf: {  	v2 =	vld.idx.msk [tilespmem:v2+s23+$0x0], $0xffff;
	v0 =	vshrl.u32 v10, $0x10;
	v10 =	vand.u32 $0xFFFF, v10  }
0xc0: {  	v8 =	vshrl.u32 v8, $0x10;
	v1 =	vshrl.u32 v11, $0x10;
	v11 =	vand.u32 $0xFFFF, v11;
	v3 =	vld.idx.msk [tilespmem:v3+s23+$0x0], $0xffff  }
0xc1: {  	v4 =	vld.idx.msk [tilespmem:v4+s23+$0x0], $0xffff  }
0xc2: {  	v5 =	vld.idx.msk [tilespmem:v5+s23+$0x0], $0xffff;
	[tilespmem:s1+$0xFFFFFF90] =	vst v14  }
0xc3: {  	v6 =	vld.idx.msk [tilespmem:v6+s23+$0x0], $0xffff;
	[tilespmem:s1+$0x50] =	vst v16;
	s1 =	sadd.s32 $0x100, s1  }
0xc4: {  	v10 =	vld.idx.msk [tilespmem:v10+s23+$0x0], $0xffff;
	[tilespmem:s1+$0x60] =	vst v9  }
0xc5: {  	[tilespmem:s1+$0xFFFFFFA0] =	vst v2;
	v8 =	vld.idx.msk [tilespmem:v8+s23+$0x0], $0xffff  }
0xc6: {  	v2 =	vld.idx.msk [tilespmem:v11+s23+$0x0], $0xffff;
	[tilespmem:s1+$0xFFFFFFC0] =	vst v3  }
.Ltmp2:
0xc7: {  	v3 =	vld.idx.msk [tilespmem:v7+s23+$0x0], $0xffff;
	[tilespmem:s1+$0xFFFFFFE0] =	vst v4;
	(pc) =	sbr.rel @p0 .LBB2_6-.Ltmp2, $4  }
0xc8: {  	v4 =	vld.idx.msk [tilespmem:v12+s23+$0x0], $0xffff;
	[tilespmem:s1+$0x0] =	vst v5  }
0xc9: {  	v5 =	vld.idx.msk [tilespmem:v13+s23+$0x0], $0xffff;
	[tilespmem:s1+$0x20] =	vst v6  }
0xca: {  	v6 =	vld.idx.msk [tilespmem:v15+s23+$0x0], $0xffff;
	[tilespmem:s1+$0x40] =	vst v10  }
0xcb: {  	s2 =	sadd.s32 $0x80, s2;
	v7 =	vld.idx.msk [tilespmem:v17+s23+$0x0], $0xffff;
	[tilespmem:s1+$0x70] =	vst v8  }
0xcc: {  	_ =	sdelay $0x2  }
0xcd: {  	[tilespmem:s1+$0xFFFFFF80] =	vst v2  }
0xce: {  	[tilespmem:s1+$0xFFFFFFB0] =	vst v3;
	v0 =	vld.idx.msk [tilespmem:v0+s23+$0x0], $0xffff  }
0xcf: {  	v1 =	vld.idx.msk [tilespmem:v1+s23+$0x0], $0xffff;
	[tilespmem:s1+$0xFFFFFFD0] =	vst v4  }
0xd0: {  	[tilespmem:s1+$0xFFFFFFF0] =	vst v5  }
0xd1: {  	[tilespmem:s1+$0x10] =	vst v6  }
0xd2: {  	[tilespmem:s1+$0x30] =	vst v7  }
0xd3: {  	[tilespmem:s1+$0x50] =	vst v0  }
0xd4: {  	[tilespmem:s1+$0xFFFFFF90] =	vst v1  }
0xd5: {  	[hbm4b:s10+s18] =	stream.strided.scatter [tilespmem:s25], [sflag:$0x5], $0x4000, s19, s18, $0x38;
	[tilespmem:$0x1C000] =	vst v63  }
0xd6: {  	_ =	swait.ge [sflag:s31], $0x4000  }
0xd7: {  	[sflag:s31] =	ssyncset.done $0x0  }
0xd8: {  	s21 =	simm.s32 $0x2070;
	[sflag:s31] =	ssyncadd.s32 $0xFFFFC000  }
0xd9: {  	v0 =	vld [tilespmem:s21+$0x0]  }
0xda: {  	v1 =	vld [tilespmem:s21+$0xFFFFFFA0]  }
0xdb: {  	v2 =	vld [tilespmem:s21+$0xFFFFFFB0]  }
0xdc: {  	v3 =	vld [tilespmem:s21+$0xFFFFFFC0]  }
0xdd: {  	v4 =	vld [tilespmem:s21+$0xFFFFFFD0]  }
0xde: {  	v5 =	vld [tilespmem:s21+$0xFFFFFFE0];
	v6 =	vand.u32 $0xFFFF, v0  }
0xdf: {  	v8 =	vld [tilespmem:s21+$0xFFFFFFF0];
	v7 =	vand.u32 $0xFFFF, v1  }
0xe0: {  	v10 =	vld [tilespmem:s21+$0xFFFFFF90];
	v9 =	vand.u32 $0xFFFF, v2  }
0xe1: {  	v11 =	vand.u32 $0xFFFF, v3  }
0xe2: {  	v12 =	vand.u32 $0xFFFF, v4  }
0xe3: {  	v13 =	vand.u32 $0xFFFF, v5;
	v6 =	vld.idx.msk [tilespmem:v6+s23+$0x0], $0xffff  }
0xe4: {  	v14 =	vand.u32 $0xFFFF, v8;
	v7 =	vld.idx.msk [tilespmem:v7+s23+$0x0], $0xffff  }
0xe5: {  	v15 =	vand.u32 $0xFFFF, v10;
	v9 =	vld.idx.msk [tilespmem:v9+s23+$0x0], $0xffff  }
0xe6: {  	v0 =	vshrl.u32 v0, $0x10;
	v11 =	vld.idx.msk [tilespmem:v11+s23+$0x0], $0xffff  }
0xe7: {  	v1 =	vshrl.u32 v1, $0x10;
	v12 =	vld.idx.msk [tilespmem:v12+s23+$0x0], $0xffff  }
0xe8: {  	s1 =	simm.s32 $0x18080;
	v16 =	vshrl.u32 v2, $0x10;
	v13 =	vld.idx.msk [tilespmem:v13+s23+$0x0], $0xffff  }
0xe9: {  	v17 =	vshrl.u32 v3, $0x10;
	v14 =	vld.idx.msk [tilespmem:v14+s23+$0x0], $0xffff;
	[tilespmem:s1+$0x60] =	vst v6  }
0xea: {  	v2 =	vld.idx.msk [tilespmem:v15+s23+$0x0], $0xffff;
	v6 =	vshrl.u32 v4, $0x10;
	[tilespmem:s1+$0xFFFFFFA0] =	vst v7  }
0xeb: {  	v7 =	vshrl.u32 v5, $0x10;
	[tilespmem:s1+$0xFFFFFFC0] =	vst v9;
	v18 =	vld.idx.msk [tilespmem:v0+s23+$0x0], $0xffff  }
0xec: {  	[tilespmem:s1+$0xFFFFFFE0] =	vst v11;
	v3 =	vld.idx.msk [tilespmem:v1+s23+$0x0], $0xffff  }
0xed: {  	[tilespmem:s1+$0x0] =	vst v12;
	v4 =	vld.idx.msk [tilespmem:v16+s23+$0x0], $0xffff  }
0xee: {  	[tilespmem:s1+$0x20] =	vst v13;
	v5 =	vld.idx.msk [tilespmem:v17+s23+$0x0], $0xffff  }
0xef: {  	[tilespmem:s1+$0x40] =	vst v14;
	v6 =	vld.idx.msk [tilespmem:v6+s23+$0x0], $0xffff  }
0xf0: {  	s2 =	simm.s32 $0x20F0;
	s21 =	simm.s32 $0x0;
	v0 =	vshrl.u32 v8, $0x10;
	v1 =	vshrl.u32 v10, $0x10;
	v7 =	vld.idx.msk [tilespmem:v7+s23+$0x0], $0xffff;
	[tilespmem:s1+$0x70] =	vst v18  }
.LBB2_8:
0xf1: {  	v8 =	vld [tilespmem:s2+$0x0];
	s21 =	sadd.s32 $0x100, s21;
	[tilespmem:s1+$0xFFFFFF80] =	vst v2  }
0xf2: {  	v2 =	vld [tilespmem:s2+$0xFFFFFFA0];
	p0 =	slt.u32 s21, $0x3F00;
	[tilespmem:s1+$0xFFFFFFB0] =	vst v3  }
0xf3: {  	v3 =	vld [tilespmem:s2+$0xFFFFFFB0];
	[tilespmem:s1+$0xFFFFFFD0] =	vst v4  }
0xf4: {  	v4 =	vld [tilespmem:s2+$0xFFFFFFC0];
	[tilespmem:s1+$0xFFFFFFF0] =	vst v5  }
0xf5: {  	v5 =	vld [tilespmem:s2+$0xFFFFFFD0];
	[tilespmem:s1+$0x10] =	vst v6  }
0xf6: {  	v6 =	vld [tilespmem:s2+$0xFFFFFFE0];
	v9 =	vand.u32 $0xFFFF, v8;
	[tilespmem:s1+$0x30] =	vst v7  }
0xf7: {  	v7 =	vshrl.u32 v2, $0x10;
	v2 =	vand.u32 $0xFFFF, v2;
	v10 =	vld [tilespmem:s2+$0xFFFFFFF0]  }
0xf8: {  	v11 =	vld [tilespmem:s2+$0xFFFFFF90];
	v12 =	vshrl.u32 v3, $0x10;
	v3 =	vand.u32 $0xFFFF, v3  }
0xf9: {  	v13 =	vshrl.u32 v4, $0x10;
	v4 =	vand.u32 $0xFFFF, v4;
	v14 =	vld.idx.msk [tilespmem:v1+s23+$0x0], $0xffff  }
0xfa: {  	v15 =	vshrl.u32 v5, $0x10;
	v5 =	vand.u32 $0xFFFF, v5;
	v16 =	vld.idx.msk [tilespmem:v0+s23+$0x0], $0xffff  }
0xfb: {  	v17 =	vshrl.u32 v6, $0x10;
	v6 =	vand.u32 $0xFFFF, v6;
	v9 =	vld.idx.msk [tilespmem:v9+s23+$0x0], $0xffff  }
0xfc: {  	v2 =	vld.idx.msk [tilespmem:v2+s23+$0x0], $0xffff;
	v0 =	vshrl.u32 v10, $0x10;
	v10 =	vand.u32 $0xFFFF, v10  }
0xfd: {  	v8 =	vshrl.u32 v8, $0x10;
	v1 =	vshrl.u32 v11, $0x10;
	v11 =	vand.u32 $0xFFFF, v11;
	v3 =	vld.idx.msk [tilespmem:v3+s23+$0x0], $0xffff  }
0xfe: {  	v4 =	vld.idx.msk [tilespmem:v4+s23+$0x0], $0xffff  }
0xff: {  	v5 =	vld.idx.msk [tilespmem:v5+s23+$0x0], $0xffff;
	[tilespmem:s1+$0xFFFFFF90] =	vst v14  }
0x100: {  	v6 =	vld.idx.msk [tilespmem:v6+s23+$0x0], $0xffff;
	[tilespmem:s1+$0x50] =	vst v16;
	s1 =	sadd.s32 $0x100, s1  }
0x101: {  	v10 =	vld.idx.msk [tilespmem:v10+s23+$0x0], $0xffff;
	[tilespmem:s1+$0x60] =	vst v9  }
0x102: {  	[tilespmem:s1+$0xFFFFFFA0] =	vst v2;
	v8 =	vld.idx.msk [tilespmem:v8+s23+$0x0], $0xffff  }
0x103: {  	v2 =	vld.idx.msk [tilespmem:v11+s23+$0x0], $0xffff;
	[tilespmem:s1+$0xFFFFFFC0] =	vst v3  }
.Ltmp3:
0x104: {  	v3 =	vld.idx.msk [tilespmem:v7+s23+$0x0], $0xffff;
	[tilespmem:s1+$0xFFFFFFE0] =	vst v4;
	(pc) =	sbr.rel @p0 .LBB2_8-.Ltmp3, $4  }
0x105: {  	v4 =	vld.idx.msk [tilespmem:v12+s23+$0x0], $0xffff;
	[tilespmem:s1+$0x0] =	vst v5  }
0x106: {  	v5 =	vld.idx.msk [tilespmem:v13+s23+$0x0], $0xffff;
	[tilespmem:s1+$0x20] =	vst v6  }
0x107: {  	v6 =	vld.idx.msk [tilespmem:v15+s23+$0x0], $0xffff;
	[tilespmem:s1+$0x40] =	vst v10  }
0x108: {  	s2 =	sadd.s32 $0x80, s2;
	v7 =	vld.idx.msk [tilespmem:v17+s23+$0x0], $0xffff;
	[tilespmem:s1+$0x70] =	vst v8  }
0x109: {  	_ =	sdelay $0x2  }
0x10a: {  	[tilespmem:s1+$0xFFFFFF80] =	vst v2  }
0x10b: {  	[tilespmem:s1+$0xFFFFFFB0] =	vst v3;
	v0 =	vld.idx.msk [tilespmem:v0+s23+$0x0], $0xffff  }
0x10c: {  	v1 =	vld.idx.msk [tilespmem:v1+s23+$0x0], $0xffff;
	[tilespmem:s1+$0xFFFFFFD0] =	vst v4  }
0x10d: {  	[tilespmem:s1+$0xFFFFFFF0] =	vst v5  }
0x10e: {  	[tilespmem:s1+$0x10] =	vst v6  }
0x10f: {  	[tilespmem:s1+$0x30] =	vst v7  }
0x110: {  	[tilespmem:s1+$0x50] =	vst v0  }
0x111: {  	[tilespmem:s1+$0xFFFFFF90] =	vst v1  }
0x112: {  	[hbm4b:s11+s18] =	stream.strided.scatter [tilespmem:s28], [sflag:$0x6], $0x4000, s19, s18, $0x38;
	[tilespmem:$0x1C000] =	vst v63  }
0x113: {  	_ =	swait.ge [sflag:s22], $0x8000  }
0x114: {  	[sflag:s22] =	ssyncset.done $0x0  }
0x115: {  	[sflag:s22] =	ssyncadd.s32 $0xFFFF8000  }
0x116: {  	[tilespmem:s23], [sflag:$0x4] =	stream.strided.gather [hbm4b:s12+s18], $0x8000, s19, s18, $0x38;
	[tilespmem:$0x1C000] =	vst v63  }
0x117: {  	_ =	swait.ge [sflag:s30], $0x4000  }
0x118: {  	[sflag:s30] =	ssyncset.done $0x0  }
0x119: {  	s21 =	simm.s32 $0x40;
	[sflag:s30] =	ssyncadd.s32 $0xFFFFC000  }
0x11a: {  	v0 =	vld [tilespmem:s21+$0x30]  }
0x11b: {  	v1 =	vld [tilespmem:s21+$0xFFFFFFD0]  }
0x11c: {  	v2 =	vld [tilespmem:s21+$0xFFFFFFE0]  }
0x11d: {  	v3 =	vld [tilespmem:s21+$0xFFFFFFF0]  }
0x11e: {  	v4 =	vld [tilespmem:s21+$0x0]  }
0x11f: {  	v5 =	vld [tilespmem:s21+$0x10];
	v6 =	vand.u32 $0xFFFF, v0  }
0x120: {  	v8 =	vld [tilespmem:s21+$0x20];
	v7 =	vand.u32 $0xFFFF, v1  }
0x121: {  	v10 =	vld [tilespmem:s21+$0xFFFFFFC0];
	v9 =	vand.u32 $0xFFFF, v2  }
0x122: {  	v11 =	vand.u32 $0xFFFF, v3  }
0x123: {  	v12 =	vand.u32 $0xFFFF, v4  }
0x124: {  	v13 =	vand.u32 $0xFFFF, v5;
	v6 =	vld.idx.msk [tilespmem:v6+s20+$0x0], $0xffff  }
0x125: {  	v14 =	vand.u32 $0xFFFF, v8;
	v7 =	vld.idx.msk [tilespmem:v7+s20+$0x0], $0xffff  }
0x126: {  	v15 =	vand.u32 $0xFFFF, v10;
	v9 =	vld.idx.msk [tilespmem:v9+s20+$0x0], $0xffff  }
0x127: {  	v0 =	vshrl.u32 v0, $0x10;
	v11 =	vld.idx.msk [tilespmem:v11+s20+$0x0], $0xffff  }
0x128: {  	v1 =	vshrl.u32 v1, $0x10;
	v12 =	vld.idx.msk [tilespmem:v12+s20+$0x0], $0xffff  }
0x129: {  	s1 =	simm.s32 $0x14080;
	v16 =	vshrl.u32 v2, $0x10;
	v13 =	vld.idx.msk [tilespmem:v13+s20+$0x0], $0xffff  }
0x12a: {  	v17 =	vshrl.u32 v3, $0x10;
	v14 =	vld.idx.msk [tilespmem:v14+s20+$0x0], $0xffff;
	[tilespmem:s1+$0x60] =	vst v6  }
0x12b: {  	v2 =	vld.idx.msk [tilespmem:v15+s20+$0x0], $0xffff;
	v6 =	vshrl.u32 v4, $0x10;
	[tilespmem:s1+$0xFFFFFFA0] =	vst v7  }
0x12c: {  	v7 =	vshrl.u32 v5, $0x10;
	[tilespmem:s1+$0xFFFFFFC0] =	vst v9;
	v18 =	vld.idx.msk [tilespmem:v0+s20+$0x0], $0xffff  }
0x12d: {  	[tilespmem:s1+$0xFFFFFFE0] =	vst v11;
	v3 =	vld.idx.msk [tilespmem:v1+s20+$0x0], $0xffff  }
0x12e: {  	[tilespmem:s1+$0x0] =	vst v12;
	v4 =	vld.idx.msk [tilespmem:v16+s20+$0x0], $0xffff  }
0x12f: {  	[tilespmem:s1+$0x20] =	vst v13;
	v5 =	vld.idx.msk [tilespmem:v17+s20+$0x0], $0xffff  }
0x130: {  	[tilespmem:s1+$0x40] =	vst v14;
	v6 =	vld.idx.msk [tilespmem:v6+s20+$0x0], $0xffff  }
0x131: {  	s2 =	simm.s32 $0xC0;
	s21 =	simm.s32 $0x0;
	v0 =	vshrl.u32 v8, $0x10;
	v1 =	vshrl.u32 v10, $0x10;
	v7 =	vld.idx.msk [tilespmem:v7+s20+$0x0], $0xffff;
	[tilespmem:s1+$0x70] =	vst v18  }
.LBB2_10:
0x132: {  	v8 =	vld [tilespmem:s2+$0x30];
	s21 =	sadd.s32 $0x100, s21;
	[tilespmem:s1+$0xFFFFFF80] =	vst v2  }
0x133: {  	v2 =	vld [tilespmem:s2+$0xFFFFFFD0];
	p0 =	slt.u32 s21, $0x3F00;
	[tilespmem:s1+$0xFFFFFFB0] =	vst v3  }
0x134: {  	v3 =	vld [tilespmem:s2+$0xFFFFFFE0];
	[tilespmem:s1+$0xFFFFFFD0] =	vst v4  }
0x135: {  	v4 =	vld [tilespmem:s2+$0xFFFFFFF0];
	[tilespmem:s1+$0xFFFFFFF0] =	vst v5  }
0x136: {  	v5 =	vld [tilespmem:s2+$0x0];
	[tilespmem:s1+$0x10] =	vst v6  }
0x137: {  	v6 =	vld [tilespmem:s2+$0x10];
	v9 =	vand.u32 $0xFFFF, v8;
	[tilespmem:s1+$0x30] =	vst v7  }
0x138: {  	v7 =	vshrl.u32 v2, $0x10;
	v2 =	vand.u32 $0xFFFF, v2;
	v10 =	vld [tilespmem:s2+$0x20]  }
0x139: {  	v11 =	vld [tilespmem:s2+$0xFFFFFFC0];
	v12 =	vshrl.u32 v3, $0x10;
	v3 =	vand.u32 $0xFFFF, v3  }
0x13a: {  	v13 =	vshrl.u32 v4, $0x10;
	v4 =	vand.u32 $0xFFFF, v4;
	v14 =	vld.idx.msk [tilespmem:v1+s20+$0x0], $0xffff  }
0x13b: {  	v15 =	vshrl.u32 v5, $0x10;
	v5 =	vand.u32 $0xFFFF, v5;
	v16 =	vld.idx.msk [tilespmem:v0+s20+$0x0], $0xffff  }
0x13c: {  	v17 =	vshrl.u32 v6, $0x10;
	v6 =	vand.u32 $0xFFFF, v6;
	v9 =	vld.idx.msk [tilespmem:v9+s20+$0x0], $0xffff  }
0x13d: {  	v2 =	vld.idx.msk [tilespmem:v2+s20+$0x0], $0xffff;
	v0 =	vshrl.u32 v10, $0x10;
	v10 =	vand.u32 $0xFFFF, v10  }
0x13e: {  	v8 =	vshrl.u32 v8, $0x10;
	v1 =	vshrl.u32 v11, $0x10;
	v11 =	vand.u32 $0xFFFF, v11;
	v3 =	vld.idx.msk [tilespmem:v3+s20+$0x0], $0xffff  }
0x13f: {  	v4 =	vld.idx.msk [tilespmem:v4+s20+$0x0], $0xffff  }
0x140: {  	v5 =	vld.idx.msk [tilespmem:v5+s20+$0x0], $0xffff;
	[tilespmem:s1+$0xFFFFFF90] =	vst v14  }
0x141: {  	v6 =	vld.idx.msk [tilespmem:v6+s20+$0x0], $0xffff;
	[tilespmem:s1+$0x50] =	vst v16;
	s1 =	sadd.s32 $0x100, s1  }
0x142: {  	v10 =	vld.idx.msk [tilespmem:v10+s20+$0x0], $0xffff;
	[tilespmem:s1+$0x60] =	vst v9  }
0x143: {  	[tilespmem:s1+$0xFFFFFFA0] =	vst v2;
	v8 =	vld.idx.msk [tilespmem:v8+s20+$0x0], $0xffff  }
0x144: {  	v2 =	vld.idx.msk [tilespmem:v11+s20+$0x0], $0xffff;
	[tilespmem:s1+$0xFFFFFFC0] =	vst v3  }
.Ltmp4:
0x145: {  	v3 =	vld.idx.msk [tilespmem:v7+s20+$0x0], $0xffff;
	[tilespmem:s1+$0xFFFFFFE0] =	vst v4;
	(pc) =	sbr.rel @p0 .LBB2_10-.Ltmp4, $4  }
0x146: {  	v4 =	vld.idx.msk [tilespmem:v12+s20+$0x0], $0xffff;
	[tilespmem:s1+$0x0] =	vst v5  }
0x147: {  	v5 =	vld.idx.msk [tilespmem:v13+s20+$0x0], $0xffff;
	[tilespmem:s1+$0x20] =	vst v6  }
0x148: {  	v6 =	vld.idx.msk [tilespmem:v15+s20+$0x0], $0xffff;
	[tilespmem:s1+$0x40] =	vst v10  }
0x149: {  	s2 =	sadd.s32 $0x80, s2;
	v7 =	vld.idx.msk [tilespmem:v17+s20+$0x0], $0xffff;
	[tilespmem:s1+$0x70] =	vst v8  }
0x14a: {  	_ =	sdelay $0x2  }
0x14b: {  	[tilespmem:s1+$0xFFFFFF80] =	vst v2  }
0x14c: {  	[tilespmem:s1+$0xFFFFFFB0] =	vst v3;
	v0 =	vld.idx.msk [tilespmem:v0+s20+$0x0], $0xffff  }
0x14d: {  	v1 =	vld.idx.msk [tilespmem:v1+s20+$0x0], $0xffff;
	[tilespmem:s1+$0xFFFFFFD0] =	vst v4  }
0x14e: {  	[tilespmem:s1+$0xFFFFFFF0] =	vst v5  }
0x14f: {  	[tilespmem:s1+$0x10] =	vst v6  }
0x150: {  	[tilespmem:s1+$0x30] =	vst v7  }
0x151: {  	[tilespmem:s1+$0x50] =	vst v0  }
0x152: {  	[tilespmem:s1+$0xFFFFFF90] =	vst v1  }
0x153: {  	[hbm4b:s13+s18] =	stream.strided.scatter [tilespmem:s25], [sflag:$0x5], $0x4000, s19, s18, $0x38;
	[tilespmem:$0x1C000] =	vst v63  }
0x154: {  	_ =	swait.ge [sflag:s31], $0x4000  }
0x155: {  	[sflag:s31] =	ssyncset.done $0x0  }
0x156: {  	s21 =	simm.s32 $0x2070;
	[sflag:s31] =	ssyncadd.s32 $0xFFFFC000  }
0x157: {  	v0 =	vld [tilespmem:s21+$0x0]  }
0x158: {  	v1 =	vld [tilespmem:s21+$0xFFFFFFA0]  }
0x159: {  	v2 =	vld [tilespmem:s21+$0xFFFFFFB0]  }
0x15a: {  	v3 =	vld [tilespmem:s21+$0xFFFFFFC0]  }
0x15b: {  	v4 =	vld [tilespmem:s21+$0xFFFFFFD0]  }
0x15c: {  	v5 =	vld [tilespmem:s21+$0xFFFFFFE0];
	v6 =	vand.u32 $0xFFFF, v0  }
0x15d: {  	v8 =	vld [tilespmem:s21+$0xFFFFFFF0];
	v7 =	vand.u32 $0xFFFF, v1  }
0x15e: {  	v10 =	vld [tilespmem:s21+$0xFFFFFF90];
	v9 =	vand.u32 $0xFFFF, v2  }
0x15f: {  	v11 =	vand.u32 $0xFFFF, v3  }
0x160: {  	v12 =	vand.u32 $0xFFFF, v4  }
0x161: {  	v13 =	vand.u32 $0xFFFF, v5;
	v6 =	vld.idx.msk [tilespmem:v6+s20+$0x0], $0xffff  }
0x162: {  	v14 =	vand.u32 $0xFFFF, v8;
	v7 =	vld.idx.msk [tilespmem:v7+s20+$0x0], $0xffff  }
0x163: {  	v15 =	vand.u32 $0xFFFF, v10;
	v9 =	vld.idx.msk [tilespmem:v9+s20+$0x0], $0xffff  }
0x164: {  	v0 =	vshrl.u32 v0, $0x10;
	v11 =	vld.idx.msk [tilespmem:v11+s20+$0x0], $0xffff  }
0x165: {  	v1 =	vshrl.u32 v1, $0x10;
	v12 =	vld.idx.msk [tilespmem:v12+s20+$0x0], $0xffff  }
0x166: {  	s1 =	simm.s32 $0x18080;
	v16 =	vshrl.u32 v2, $0x10;
	v13 =	vld.idx.msk [tilespmem:v13+s20+$0x0], $0xffff  }
0x167: {  	v17 =	vshrl.u32 v3, $0x10;
	v14 =	vld.idx.msk [tilespmem:v14+s20+$0x0], $0xffff;
	[tilespmem:s1+$0x60] =	vst v6  }
0x168: {  	v2 =	vld.idx.msk [tilespmem:v15+s20+$0x0], $0xffff;
	v6 =	vshrl.u32 v4, $0x10;
	[tilespmem:s1+$0xFFFFFFA0] =	vst v7  }
0x169: {  	v7 =	vshrl.u32 v5, $0x10;
	[tilespmem:s1+$0xFFFFFFC0] =	vst v9;
	v18 =	vld.idx.msk [tilespmem:v0+s20+$0x0], $0xffff  }
0x16a: {  	[tilespmem:s1+$0xFFFFFFE0] =	vst v11;
	v3 =	vld.idx.msk [tilespmem:v1+s20+$0x0], $0xffff  }
0x16b: {  	[tilespmem:s1+$0x0] =	vst v12;
	v4 =	vld.idx.msk [tilespmem:v16+s20+$0x0], $0xffff  }
0x16c: {  	[tilespmem:s1+$0x20] =	vst v13;
	v5 =	vld.idx.msk [tilespmem:v17+s20+$0x0], $0xffff  }
0x16d: {  	[tilespmem:s1+$0x40] =	vst v14;
	v6 =	vld.idx.msk [tilespmem:v6+s20+$0x0], $0xffff  }
0x16e: {  	s2 =	simm.s32 $0x20F0;
	s21 =	simm.s32 $0x0;
	v0 =	vshrl.u32 v8, $0x10;
	v1 =	vshrl.u32 v10, $0x10;
	v7 =	vld.idx.msk [tilespmem:v7+s20+$0x0], $0xffff;
	[tilespmem:s1+$0x70] =	vst v18  }
.LBB2_12:
0x16f: {  	v8 =	vld [tilespmem:s2+$0x0];
	s21 =	sadd.s32 $0x100, s21;
	[tilespmem:s1+$0xFFFFFF80] =	vst v2  }
0x170: {  	v2 =	vld [tilespmem:s2+$0xFFFFFFA0];
	p0 =	slt.u32 s21, $0x3F00;
	[tilespmem:s1+$0xFFFFFFB0] =	vst v3  }
0x171: {  	v3 =	vld [tilespmem:s2+$0xFFFFFFB0];
	[tilespmem:s1+$0xFFFFFFD0] =	vst v4  }
0x172: {  	v4 =	vld [tilespmem:s2+$0xFFFFFFC0];
	[tilespmem:s1+$0xFFFFFFF0] =	vst v5  }
0x173: {  	v5 =	vld [tilespmem:s2+$0xFFFFFFD0];
	[tilespmem:s1+$0x10] =	vst v6  }
0x174: {  	v6 =	vld [tilespmem:s2+$0xFFFFFFE0];
	v9 =	vand.u32 $0xFFFF, v8;
	[tilespmem:s1+$0x30] =	vst v7  }
0x175: {  	v7 =	vshrl.u32 v2, $0x10;
	v2 =	vand.u32 $0xFFFF, v2;
	v10 =	vld [tilespmem:s2+$0xFFFFFFF0]  }
0x176: {  	v11 =	vld [tilespmem:s2+$0xFFFFFF90];
	v12 =	vshrl.u32 v3, $0x10;
	v3 =	vand.u32 $0xFFFF, v3  }
0x177: {  	v13 =	vshrl.u32 v4, $0x10;
	v4 =	vand.u32 $0xFFFF, v4;
	v14 =	vld.idx.msk [tilespmem:v1+s20+$0x0], $0xffff  }
0x178: {  	v15 =	vshrl.u32 v5, $0x10;
	v5 =	vand.u32 $0xFFFF, v5;
	v16 =	vld.idx.msk [tilespmem:v0+s20+$0x0], $0xffff  }
0x179: {  	v17 =	vshrl.u32 v6, $0x10;
	v6 =	vand.u32 $0xFFFF, v6;
	v9 =	vld.idx.msk [tilespmem:v9+s20+$0x0], $0xffff  }
0x17a: {  	v2 =	vld.idx.msk [tilespmem:v2+s20+$0x0], $0xffff;
	v0 =	vshrl.u32 v10, $0x10;
	v10 =	vand.u32 $0xFFFF, v10  }
0x17b: {  	v8 =	vshrl.u32 v8, $0x10;
	v1 =	vshrl.u32 v11, $0x10;
	v11 =	vand.u32 $0xFFFF, v11;
	v3 =	vld.idx.msk [tilespmem:v3+s20+$0x0], $0xffff  }
0x17c: {  	v4 =	vld.idx.msk [tilespmem:v4+s20+$0x0], $0xffff  }
0x17d: {  	v5 =	vld.idx.msk [tilespmem:v5+s20+$0x0], $0xffff;
	[tilespmem:s1+$0xFFFFFF90] =	vst v14  }
0x17e: {  	v6 =	vld.idx.msk [tilespmem:v6+s20+$0x0], $0xffff;
	[tilespmem:s1+$0x50] =	vst v16;
	s1 =	sadd.s32 $0x100, s1  }
0x17f: {  	v10 =	vld.idx.msk [tilespmem:v10+s20+$0x0], $0xffff;
	[tilespmem:s1+$0x60] =	vst v9  }
0x180: {  	[tilespmem:s1+$0xFFFFFFA0] =	vst v2;
	v8 =	vld.idx.msk [tilespmem:v8+s20+$0x0], $0xffff  }
0x181: {  	v2 =	vld.idx.msk [tilespmem:v11+s20+$0x0], $0xffff;
	[tilespmem:s1+$0xFFFFFFC0] =	vst v3  }
.Ltmp5:
0x182: {  	v3 =	vld.idx.msk [tilespmem:v7+s20+$0x0], $0xffff;
	[tilespmem:s1+$0xFFFFFFE0] =	vst v4;
	(pc) =	sbr.rel @p0 .LBB2_12-.Ltmp5, $4  }
0x183: {  	v4 =	vld.idx.msk [tilespmem:v12+s20+$0x0], $0xffff;
	[tilespmem:s1+$0x0] =	vst v5  }
0x184: {  	v5 =	vld.idx.msk [tilespmem:v13+s20+$0x0], $0xffff;
	[tilespmem:s1+$0x20] =	vst v6  }
0x185: {  	v6 =	vld.idx.msk [tilespmem:v15+s20+$0x0], $0xffff;
	[tilespmem:s1+$0x40] =	vst v10  }
0x186: {  	s2 =	sadd.s32 $0x80, s2;
	v7 =	vld.idx.msk [tilespmem:v17+s20+$0x0], $0xffff;
	[tilespmem:s1+$0x70] =	vst v8  }
0x187: {  	_ =	sdelay $0x2  }
0x188: {  	[tilespmem:s1+$0xFFFFFF80] =	vst v2  }
0x189: {  	[tilespmem:s1+$0xFFFFFFB0] =	vst v3;
	v0 =	vld.idx.msk [tilespmem:v0+s20+$0x0], $0xffff  }
0x18a: {  	v1 =	vld.idx.msk [tilespmem:v1+s20+$0x0], $0xffff;
	[tilespmem:s1+$0xFFFFFFD0] =	vst v4  }
0x18b: {  	[tilespmem:s1+$0xFFFFFFF0] =	vst v5  }
0x18c: {  	[tilespmem:s1+$0x10] =	vst v6  }
0x18d: {  	[tilespmem:s1+$0x30] =	vst v7  }
0x18e: {  	[tilespmem:s1+$0x50] =	vst v0  }
0x18f: {  	[tilespmem:s1+$0xFFFFFF90] =	vst v1  }
0x190: {  	[hbm4b:s14+s18] =	stream.strided.scatter [tilespmem:s28], [sflag:$0x6], $0x4000, s19, s18, $0x38;
	[tilespmem:$0x1C000] =	vst v63  }
0x191: {  	_ =	swait.ge [sflag:s29], $0x8000  }
0x192: {  	[sflag:s29] =	ssyncset.done $0x0  }
0x193: {  	[sflag:s29] =	ssyncadd.s32 $0xFFFF8000  }
0x194: {  	_ =	swait.ge [sflag:s30], $0x4000  }
0x195: {  	[sflag:s30] =	ssyncset.done $0x0  }
0x196: {  	s21 =	simm.s32 $0x40;
	[sflag:s30] =	ssyncadd.s32 $0xFFFFC000  }
0x197: {  	v0 =	vld [tilespmem:s21+$0x30]  }
0x198: {  	v1 =	vld [tilespmem:s21+$0xFFFFFFD0]  }
0x199: {  	v2 =	vld [tilespmem:s21+$0xFFFFFFE0]  }
0x19a: {  	v3 =	vld [tilespmem:s21+$0xFFFFFFF0]  }
0x19b: {  	v4 =	vld [tilespmem:s21+$0x0]  }
0x19c: {  	v5 =	vld [tilespmem:s21+$0x10];
	v6 =	vand.u32 $0xFFFF, v0  }
0x19d: {  	v8 =	vld [tilespmem:s21+$0x20];
	v7 =	vand.u32 $0xFFFF, v1  }
0x19e: {  	v10 =	vld [tilespmem:s21+$0xFFFFFFC0];
	v9 =	vand.u32 $0xFFFF, v2  }
0x19f: {  	v11 =	vand.u32 $0xFFFF, v3  }
0x1a0: {  	v12 =	vand.u32 $0xFFFF, v4  }
0x1a1: {  	v13 =	vand.u32 $0xFFFF, v5;
	v6 =	vld.idx.msk [tilespmem:v6+s23+$0x0], $0xffff  }
0x1a2: {  	v14 =	vand.u32 $0xFFFF, v8;
	v7 =	vld.idx.msk [tilespmem:v7+s23+$0x0], $0xffff  }
0x1a3: {  	v15 =	vand.u32 $0xFFFF, v10;
	v9 =	vld.idx.msk [tilespmem:v9+s23+$0x0], $0xffff  }
0x1a4: {  	v0 =	vshrl.u32 v0, $0x10;
	v11 =	vld.idx.msk [tilespmem:v11+s23+$0x0], $0xffff  }
0x1a5: {  	v1 =	vshrl.u32 v1, $0x10;
	v12 =	vld.idx.msk [tilespmem:v12+s23+$0x0], $0xffff  }
0x1a6: {  	s1 =	simm.s32 $0x14080;
	v16 =	vshrl.u32 v2, $0x10;
	v13 =	vld.idx.msk [tilespmem:v13+s23+$0x0], $0xffff  }
0x1a7: {  	v17 =	vshrl.u32 v3, $0x10;
	v14 =	vld.idx.msk [tilespmem:v14+s23+$0x0], $0xffff;
	[tilespmem:s1+$0x60] =	vst v6  }
0x1a8: {  	v2 =	vld.idx.msk [tilespmem:v15+s23+$0x0], $0xffff;
	v6 =	vshrl.u32 v4, $0x10;
	[tilespmem:s1+$0xFFFFFFA0] =	vst v7  }
0x1a9: {  	v7 =	vshrl.u32 v5, $0x10;
	[tilespmem:s1+$0xFFFFFFC0] =	vst v9;
	v18 =	vld.idx.msk [tilespmem:v0+s23+$0x0], $0xffff  }
0x1aa: {  	[tilespmem:s1+$0xFFFFFFE0] =	vst v11;
	v3 =	vld.idx.msk [tilespmem:v1+s23+$0x0], $0xffff  }
0x1ab: {  	[tilespmem:s1+$0x0] =	vst v12;
	v4 =	vld.idx.msk [tilespmem:v16+s23+$0x0], $0xffff  }
0x1ac: {  	[tilespmem:s1+$0x20] =	vst v13;
	v5 =	vld.idx.msk [tilespmem:v17+s23+$0x0], $0xffff  }
0x1ad: {  	[tilespmem:s1+$0x40] =	vst v14;
	v6 =	vld.idx.msk [tilespmem:v6+s23+$0x0], $0xffff  }
0x1ae: {  	s2 =	simm.s32 $0xC0;
	s21 =	simm.s32 $0x0;
	v0 =	vshrl.u32 v8, $0x10;
	v1 =	vshrl.u32 v10, $0x10;
	v7 =	vld.idx.msk [tilespmem:v7+s23+$0x0], $0xffff;
	[tilespmem:s1+$0x70] =	vst v18  }
.LBB2_14:
0x1af: {  	v8 =	vld [tilespmem:s2+$0x30];
	s21 =	sadd.s32 $0x100, s21;
	[tilespmem:s1+$0xFFFFFF80] =	vst v2  }
0x1b0: {  	v2 =	vld [tilespmem:s2+$0xFFFFFFD0];
	p0 =	slt.u32 s21, $0x3F00;
	[tilespmem:s1+$0xFFFFFFB0] =	vst v3  }
0x1b1: {  	v3 =	vld [tilespmem:s2+$0xFFFFFFE0];
	[tilespmem:s1+$0xFFFFFFD0] =	vst v4  }
0x1b2: {  	v4 =	vld [tilespmem:s2+$0xFFFFFFF0];
	[tilespmem:s1+$0xFFFFFFF0] =	vst v5  }
0x1b3: {  	v5 =	vld [tilespmem:s2+$0x0];
	[tilespmem:s1+$0x10] =	vst v6  }
0x1b4: {  	v6 =	vld [tilespmem:s2+$0x10];
	v9 =	vand.u32 $0xFFFF, v8;
	[tilespmem:s1+$0x30] =	vst v7  }
0x1b5: {  	v7 =	vshrl.u32 v2, $0x10;
	v2 =	vand.u32 $0xFFFF, v2;
	v10 =	vld [tilespmem:s2+$0x20]  }
0x1b6: {  	v11 =	vld [tilespmem:s2+$0xFFFFFFC0];
	v12 =	vshrl.u32 v3, $0x10;
	v3 =	vand.u32 $0xFFFF, v3  }
0x1b7: {  	v13 =	vshrl.u32 v4, $0x10;
	v4 =	vand.u32 $0xFFFF, v4;
	v14 =	vld.idx.msk [tilespmem:v1+s23+$0x0], $0xffff  }
0x1b8: {  	v15 =	vshrl.u32 v5, $0x10;
	v5 =	vand.u32 $0xFFFF, v5;
	v16 =	vld.idx.msk [tilespmem:v0+s23+$0x0], $0xffff  }
0x1b9: {  	v17 =	vshrl.u32 v6, $0x10;
	v6 =	vand.u32 $0xFFFF, v6;
	v9 =	vld.idx.msk [tilespmem:v9+s23+$0x0], $0xffff  }
0x1ba: {  	v2 =	vld.idx.msk [tilespmem:v2+s23+$0x0], $0xffff;
	v0 =	vshrl.u32 v10, $0x10;
	v10 =	vand.u32 $0xFFFF, v10  }
0x1bb: {  	v8 =	vshrl.u32 v8, $0x10;
	v1 =	vshrl.u32 v11, $0x10;
	v11 =	vand.u32 $0xFFFF, v11;
	v3 =	vld.idx.msk [tilespmem:v3+s23+$0x0], $0xffff  }
0x1bc: {  	v4 =	vld.idx.msk [tilespmem:v4+s23+$0x0], $0xffff  }
0x1bd: {  	v5 =	vld.idx.msk [tilespmem:v5+s23+$0x0], $0xffff;
	[tilespmem:s1+$0xFFFFFF90] =	vst v14  }
0x1be: {  	v6 =	vld.idx.msk [tilespmem:v6+s23+$0x0], $0xffff;
	[tilespmem:s1+$0x50] =	vst v16;
	s1 =	sadd.s32 $0x100, s1  }
0x1bf: {  	v10 =	vld.idx.msk [tilespmem:v10+s23+$0x0], $0xffff;
	[tilespmem:s1+$0x60] =	vst v9  }
0x1c0: {  	[tilespmem:s1+$0xFFFFFFA0] =	vst v2;
	v8 =	vld.idx.msk [tilespmem:v8+s23+$0x0], $0xffff  }
0x1c1: {  	v2 =	vld.idx.msk [tilespmem:v11+s23+$0x0], $0xffff;
	[tilespmem:s1+$0xFFFFFFC0] =	vst v3  }
.Ltmp6:
0x1c2: {  	v3 =	vld.idx.msk [tilespmem:v7+s23+$0x0], $0xffff;
	[tilespmem:s1+$0xFFFFFFE0] =	vst v4;
	(pc) =	sbr.rel @p0 .LBB2_14-.Ltmp6, $4  }
0x1c3: {  	v4 =	vld.idx.msk [tilespmem:v12+s23+$0x0], $0xffff;
	[tilespmem:s1+$0x0] =	vst v5  }
0x1c4: {  	v5 =	vld.idx.msk [tilespmem:v13+s23+$0x0], $0xffff;
	[tilespmem:s1+$0x20] =	vst v6  }
0x1c5: {  	v6 =	vld.idx.msk [tilespmem:v15+s23+$0x0], $0xffff;
	[tilespmem:s1+$0x40] =	vst v10  }
0x1c6: {  	s2 =	sadd.s32 $0x80, s2;
	v7 =	vld.idx.msk [tilespmem:v17+s23+$0x0], $0xffff;
	[tilespmem:s1+$0x70] =	vst v8  }
0x1c7: {  	_ =	sdelay $0x2  }
0x1c8: {  	[tilespmem:s1+$0xFFFFFF80] =	vst v2  }
0x1c9: {  	[tilespmem:s1+$0xFFFFFFB0] =	vst v3;
	v0 =	vld.idx.msk [tilespmem:v0+s23+$0x0], $0xffff  }
0x1ca: {  	v1 =	vld.idx.msk [tilespmem:v1+s23+$0x0], $0xffff;
	[tilespmem:s1+$0xFFFFFFD0] =	vst v4  }
0x1cb: {  	[tilespmem:s1+$0xFFFFFFF0] =	vst v5  }
0x1cc: {  	[tilespmem:s1+$0x10] =	vst v6  }
0x1cd: {  	[tilespmem:s1+$0x30] =	vst v7  }
0x1ce: {  	[tilespmem:s1+$0x50] =	vst v0  }
0x1cf: {  	[tilespmem:s1+$0xFFFFFF90] =	vst v1  }
0x1d0: {  	[hbm4b:s15+s18] =	stream.strided.scatter [tilespmem:s25], [sflag:$0x5], $0x4000, s19, s18, $0x38;
	[tilespmem:$0x1C000] =	vst v63  }
0x1d1: {  	_ =	swait.ge [sflag:s31], $0x4000  }
0x1d2: {  	[sflag:s31] =	ssyncset.done $0x0  }
0x1d3: {  	s21 =	simm.s32 $0x2070;
	[sflag:s31] =	ssyncadd.s32 $0xFFFFC000  }
0x1d4: {  	v0 =	vld [tilespmem:s21+$0x0]  }
0x1d5: {  	v1 =	vld [tilespmem:s21+$0xFFFFFFA0]  }
0x1d6: {  	v2 =	vld [tilespmem:s21+$0xFFFFFFB0]  }
0x1d7: {  	v3 =	vld [tilespmem:s21+$0xFFFFFFC0]  }
0x1d8: {  	v4 =	vld [tilespmem:s21+$0xFFFFFFD0]  }
0x1d9: {  	v5 =	vld [tilespmem:s21+$0xFFFFFFE0];
	v6 =	vand.u32 $0xFFFF, v0  }
0x1da: {  	v8 =	vld [tilespmem:s21+$0xFFFFFFF0];
	v7 =	vand.u32 $0xFFFF, v1  }
0x1db: {  	v10 =	vld [tilespmem:s21+$0xFFFFFF90];
	v9 =	vand.u32 $0xFFFF, v2  }
0x1dc: {  	v11 =	vand.u32 $0xFFFF, v3  }
0x1dd: {  	v12 =	vand.u32 $0xFFFF, v4  }
0x1de: {  	v13 =	vand.u32 $0xFFFF, v5;
	v6 =	vld.idx.msk [tilespmem:v6+s23+$0x0], $0xffff  }
0x1df: {  	v14 =	vand.u32 $0xFFFF, v8;
	v7 =	vld.idx.msk [tilespmem:v7+s23+$0x0], $0xffff  }
0x1e0: {  	v15 =	vand.u32 $0xFFFF, v10;
	v9 =	vld.idx.msk [tilespmem:v9+s23+$0x0], $0xffff  }
0x1e1: {  	v0 =	vshrl.u32 v0, $0x10;
	v11 =	vld.idx.msk [tilespmem:v11+s23+$0x0], $0xffff  }
0x1e2: {  	v1 =	vshrl.u32 v1, $0x10;
	v12 =	vld.idx.msk [tilespmem:v12+s23+$0x0], $0xffff  }
0x1e3: {  	s1 =	simm.s32 $0x18080;
	v16 =	vshrl.u32 v2, $0x10;
	v13 =	vld.idx.msk [tilespmem:v13+s23+$0x0], $0xffff  }
0x1e4: {  	v17 =	vshrl.u32 v3, $0x10;
	v14 =	vld.idx.msk [tilespmem:v14+s23+$0x0], $0xffff;
	[tilespmem:s1+$0x60] =	vst v6  }
0x1e5: {  	v2 =	vld.idx.msk [tilespmem:v15+s23+$0x0], $0xffff;
	v6 =	vshrl.u32 v4, $0x10;
	[tilespmem:s1+$0xFFFFFFA0] =	vst v7  }
0x1e6: {  	v7 =	vshrl.u32 v5, $0x10;
	[tilespmem:s1+$0xFFFFFFC0] =	vst v9;
	v18 =	vld.idx.msk [tilespmem:v0+s23+$0x0], $0xffff  }
0x1e7: {  	[tilespmem:s1+$0xFFFFFFE0] =	vst v11;
	v3 =	vld.idx.msk [tilespmem:v1+s23+$0x0], $0xffff  }
0x1e8: {  	[tilespmem:s1+$0x0] =	vst v12;
	v4 =	vld.idx.msk [tilespmem:v16+s23+$0x0], $0xffff  }
0x1e9: {  	[tilespmem:s1+$0x20] =	vst v13;
	v5 =	vld.idx.msk [tilespmem:v17+s23+$0x0], $0xffff  }
0x1ea: {  	[tilespmem:s1+$0x40] =	vst v14;
	v6 =	vld.idx.msk [tilespmem:v6+s23+$0x0], $0xffff  }
0x1eb: {  	s2 =	simm.s32 $0x20F0;
	s21 =	simm.s32 $0x0;
	v0 =	vshrl.u32 v8, $0x10;
	v1 =	vshrl.u32 v10, $0x10;
	v7 =	vld.idx.msk [tilespmem:v7+s23+$0x0], $0xffff;
	[tilespmem:s1+$0x70] =	vst v18  }
.LBB2_16:
0x1ec: {  	v8 =	vld [tilespmem:s2+$0x0];
	s21 =	sadd.s32 $0x100, s21;
	[tilespmem:s1+$0xFFFFFF80] =	vst v2  }
0x1ed: {  	v2 =	vld [tilespmem:s2+$0xFFFFFFA0];
	p0 =	slt.u32 s21, $0x3F00;
	[tilespmem:s1+$0xFFFFFFB0] =	vst v3  }
0x1ee: {  	v3 =	vld [tilespmem:s2+$0xFFFFFFB0];
	[tilespmem:s1+$0xFFFFFFD0] =	vst v4  }
0x1ef: {  	v4 =	vld [tilespmem:s2+$0xFFFFFFC0];
	[tilespmem:s1+$0xFFFFFFF0] =	vst v5  }
0x1f0: {  	v5 =	vld [tilespmem:s2+$0xFFFFFFD0];
	[tilespmem:s1+$0x10] =	vst v6  }
0x1f1: {  	v6 =	vld [tilespmem:s2+$0xFFFFFFE0];
	v9 =	vand.u32 $0xFFFF, v8;
	[tilespmem:s1+$0x30] =	vst v7  }
0x1f2: {  	v7 =	vshrl.u32 v2, $0x10;
	v2 =	vand.u32 $0xFFFF, v2;
	v10 =	vld [tilespmem:s2+$0xFFFFFFF0]  }
0x1f3: {  	v11 =	vld [tilespmem:s2+$0xFFFFFF90];
	v12 =	vshrl.u32 v3, $0x10;
	v3 =	vand.u32 $0xFFFF, v3  }
0x1f4: {  	v13 =	vshrl.u32 v4, $0x10;
	v4 =	vand.u32 $0xFFFF, v4;
	v14 =	vld.idx.msk [tilespmem:v1+s23+$0x0], $0xffff  }
0x1f5: {  	v15 =	vshrl.u32 v5, $0x10;
	v5 =	vand.u32 $0xFFFF, v5;
	v16 =	vld.idx.msk [tilespmem:v0+s23+$0x0], $0xffff  }
0x1f6: {  	v17 =	vshrl.u32 v6, $0x10;
	v6 =	vand.u32 $0xFFFF, v6;
	v9 =	vld.idx.msk [tilespmem:v9+s23+$0x0], $0xffff  }
0x1f7: {  	v2 =	vld.idx.msk [tilespmem:v2+s23+$0x0], $0xffff;
	v0 =	vshrl.u32 v10, $0x10;
	v10 =	vand.u32 $0xFFFF, v10  }
0x1f8: {  	v8 =	vshrl.u32 v8, $0x10;
	v1 =	vshrl.u32 v11, $0x10;
	v11 =	vand.u32 $0xFFFF, v11;
	v3 =	vld.idx.msk [tilespmem:v3+s23+$0x0], $0xffff  }
0x1f9: {  	v4 =	vld.idx.msk [tilespmem:v4+s23+$0x0], $0xffff  }
0x1fa: {  	v5 =	vld.idx.msk [tilespmem:v5+s23+$0x0], $0xffff;
	[tilespmem:s1+$0xFFFFFF90] =	vst v14  }
0x1fb: {  	v6 =	vld.idx.msk [tilespmem:v6+s23+$0x0], $0xffff;
	[tilespmem:s1+$0x50] =	vst v16;
	s1 =	sadd.s32 $0x100, s1  }
0x1fc: {  	v10 =	vld.idx.msk [tilespmem:v10+s23+$0x0], $0xffff;
	[tilespmem:s1+$0x60] =	vst v9  }
0x1fd: {  	[tilespmem:s1+$0xFFFFFFA0] =	vst v2;
	v8 =	vld.idx.msk [tilespmem:v8+s23+$0x0], $0xffff  }
0x1fe: {  	v2 =	vld.idx.msk [tilespmem:v11+s23+$0x0], $0xffff;
	[tilespmem:s1+$0xFFFFFFC0] =	vst v3  }
.Ltmp7:
0x1ff: {  	v3 =	vld.idx.msk [tilespmem:v7+s23+$0x0], $0xffff;
	[tilespmem:s1+$0xFFFFFFE0] =	vst v4;
	(pc) =	sbr.rel @p0 .LBB2_16-.Ltmp7, $4  }
0x200: {  	v4 =	vld.idx.msk [tilespmem:v12+s23+$0x0], $0xffff;
	[tilespmem:s1+$0x0] =	vst v5  }
0x201: {  	v5 =	vld.idx.msk [tilespmem:v13+s23+$0x0], $0xffff;
	[tilespmem:s1+$0x20] =	vst v6  }
0x202: {  	v6 =	vld.idx.msk [tilespmem:v15+s23+$0x0], $0xffff;
	[tilespmem:s1+$0x40] =	vst v10  }
0x203: {  	s2 =	sadd.s32 $0x80, s2;
	v7 =	vld.idx.msk [tilespmem:v17+s23+$0x0], $0xffff;
	[tilespmem:s1+$0x70] =	vst v8  }
0x204: {  	_ =	sdelay $0x2  }
0x205: {  	[tilespmem:s1+$0xFFFFFF80] =	vst v2  }
0x206: {  	[tilespmem:s1+$0xFFFFFFB0] =	vst v3;
	v0 =	vld.idx.msk [tilespmem:v0+s23+$0x0], $0xffff  }
0x207: {  	v1 =	vld.idx.msk [tilespmem:v1+s23+$0x0], $0xffff;
	[tilespmem:s1+$0xFFFFFFD0] =	vst v4  }
0x208: {  	[tilespmem:s1+$0xFFFFFFF0] =	vst v5  }
0x209: {  	[tilespmem:s1+$0x10] =	vst v6  }
0x20a: {  	[tilespmem:s1+$0x30] =	vst v7  }
0x20b: {  	[tilespmem:s1+$0x50] =	vst v0  }
0x20c: {  	s0 =	sadd.s32 $0x1, s0;
	[tilespmem:s1+$0xFFFFFF90] =	vst v1  }
0x20d: {  	[hbm4b:s16+s18] =	stream.strided.scatter [tilespmem:s28], [sflag:$0x6], $0x4000, s19, s18, $0x38;
	[tilespmem:$0x1C000] =	vst v63  }
0x20e: {  	p0 =	sne.s32 s0, s17;
	_ =	swait.ge [sflag:s30], $0x4000  }
.Ltmp8:
0x20f: {  	[sflag:s30] =	ssyncset.done $0x0;
	(pc) =	sbr.rel @p0 .LBB2_1-.Ltmp8, $4  }
0x210: {  	[sflag:s30] =	ssyncadd.s32 $0xFFFFC000  }
0x211: {  	_ =	swait.ge [sflag:s31], $0x4000  }
0x212: {  	[sflag:s31] =	ssyncset.done $0x0  }
0x213: {  	[sflag:s31] =	ssyncadd.s32 $0xFFFFC000  }
0x214: {  	_ =	sfence.sel $0x180000  }
0x215: {  	[bflag:$0x0] =	sbarrier.arrive $0xFFFF  }
0x216: {  	_ =	strace $0x90000047  }
0x217: {  	s0 =	stileid.u32;
	[bflag:$0x2] =	sbarrier.arrive $0xFFFF  }
0x218: {  	p0 =	sne.s32 s0, $0x0;
	s0 =	rddreg [dreg:$0x3]  }
0x219: {  	s0 =	sadd.s32 @!p0 $0x100000, s0  }
0x21a: {  	[sflag:s0] =	ssyncadd.tile.s32 @!p0 $0x1;
	_ =	shalt  }
.Lfunc_end2:
_tile_overlayer_lowered:
.L_overlay_start_2:
0x21b: {  	(tag) =	ssettag $0x2  }
0x21c: {  	s0 =	rddreg [dreg:$0x0];
	s2 =	stileid.u32  }
0x21d: {  	s1 =	rddreg [dreg:$0x1];
	p0 =	sne.s32 s2, $0x0  }
0x21e: {  	s3 =	rddreg [dreg:$0x2];
	[bflag:$0x3] =	sbarrier.arrive $0xFFFF;
	s2 =	simm.s32 @!p0 $0x1C07  }
0x21f: {  	[timem:s3], [sflag:s2] =	dma.local @!p0 [hbm:s0], s1  }
0x220: {  	s0 =	simm.s32 @!p0 $0x7  }
0x221: {  	_ =	swait.ge @!p0 [sflag:s0], s1  }
0x222: {  	s1 =	ssub.s32 @!p0 $0x0, s1;
	[sflag:s0] =	ssyncset.done @!p0 $0x0  }
0x223: {  	[sflag:s0] =	ssyncadd.s32 @!p0 s1  }
0x224: {  	[bflag:$0x3] =	sbarrier.arrive $0xFFFF  }
0x225: {  	_ =	shalt  }

</sc_bundles>
